<compile_context>
chip_gen: v7x
topology: tpu7x:2x2x1
jax: 0.10.2.dev20260603
libtpu: 0.0.44.dev20260713+nightly
codegen_flags: <defaults>
</compile_context>

<pallas_src>
import functools
import jax
import jax.numpy as jnp
import numpy as np
from jax import lax
from jax.experimental import pallas as pl
from jax.experimental.pallas import tpu as pltpu
from jax.experimental.pallas import tpu_sc as plsc

_Y_LOC = 100
_X_LOC = 100
_T_H = 96
_T_W = 96

_BR0 = 96
_BRN = 104
_BCN = 256

_P = 12
_RB = 8


def _band_cast_body(x_ref, o_ref):
    o_ref[...] = x_ref[...].astype(jnp.uint8)


def _tc_band_cast(x):
    n, h, w = x.shape
    return pl.pallas_call(
        _band_cast_body,
        grid=(n // _P, _BRN // _RB),
        in_specs=[pl.BlockSpec(
            (_P, _RB, _BCN), lambda i, j: (i, j + _BR0 // _RB, 0))],
        out_specs=pl.BlockSpec((_P, _RB, _BCN), lambda i, j: (i, j, 0)),
        out_shape=jax.ShapeDtypeStruct((n, _BRN, _BCN), jnp.uint8),
    )(x)


def _sc_erase_band(yband):
    n = yband.shape[0]
    planes_per_worker = n // 32
    mesh = plsc.VectorSubcoreMesh(
        core_axis_name="c", subcore_axis_name="s", num_cores=2,
        num_subcores=16)

    m_lo_arr = jnp.asarray(
        np.repeat((np.arange(16) < _X_LOC - 96)[None, :], 4, 0)
        .astype(np.uint8))
    m_hi_arr = jnp.asarray(
        np.repeat((np.arange(16) + 192 >= _X_LOC + _T_W)[None, :], 4, 0)
        .astype(np.uint8))

    @functools.partial(
        pl.kernel,
        out_type=jax.ShapeDtypeStruct((n, _BRN, _BCN), jnp.uint8),
        mesh=mesh,
        scratch_types=[
            pltpu.VMEM((_BRN, _BCN), jnp.uint8),
            pltpu.VMEM((4, 16), jnp.uint8),
            pltpu.VMEM((4, 16), jnp.uint8),
        ],
    )
    def k(y_hbm, mlo_hbm, mhi_hbm, band_hbm, bv, mlo_v, mhi_v):
        wid = lax.axis_index("s") * 2 + lax.axis_index("c")
        pltpu.sync_copy(mlo_hbm, mlo_v)
        pltpu.sync_copy(mhi_hbm, mhi_v)

        for i in range(planes_per_worker):
            p = wid * planes_per_worker + i
            pltpu.sync_copy(y_hbm.at[p], bv)

            def zgrp(g, carry):
                r = pl.multiple_of(_Y_LOC - _BR0 + 4 * g, 4)
                m_lo = mlo_v[pl.ds(0, 4), pl.ds(0, 16)]
                m_hi = mhi_v[pl.ds(0, 4), pl.ds(0, 16)]
                v0 = bv[pl.ds(r, 4), pl.ds(96, 16)]
                bv[pl.ds(r, 4), pl.ds(96, 16)] = v0 * m_lo
                for kk in range(1, 6):
                    v = bv[pl.ds(r, 4), pl.ds(96 + 16 * kk, 16)]
                    bv[pl.ds(r, 4), pl.ds(96 + 16 * kk, 16)] = (
                        v * jnp.uint8(0))
                v6 = bv[pl.ds(r, 4), pl.ds(192, 16)]
                bv[pl.ds(r, 4), pl.ds(192, 16)] = v6 * m_hi
                return carry

            lax.fori_loop(0, _T_H // 4, zgrp, 0)
            pltpu.sync_copy(bv, band_hbm.at[p])

    return k(yband, m_lo_arr, m_hi_arr)


def _merge_body(x_ref, b_ref, o_ref):
    o_ref[...] = x_ref[...].astype(jnp.uint8)
    o_ref[:, _BR0:_BR0 + _BRN, 0:_BCN] = b_ref[...]


def _tc_merge(x, band):
    n, h, w = x.shape
    return pl.pallas_call(
        _merge_body,
        grid=(n // _P,),
        in_specs=[
            pl.BlockSpec((_P, h, w), lambda i: (i, 0, 0)),
            pl.BlockSpec((_P, _BRN, _BCN), lambda i: (i, 0, 0)),
        ],
        out_specs=pl.BlockSpec((_P, h, w), lambda i: (i, 0, 0)),
        out_shape=jax.ShapeDtypeStruct((n, h, w), jnp.uint8),
    )(x, band)


def kernel(inputs):
    b, h, w, c = inputs.shape
    x = jnp.transpose(inputs, (0, 3, 1, 2)).reshape(b * c, h, w)
    yband = _tc_band_cast(x)
    band = _sc_erase_band(yband)
    out = _tc_merge(x, band)
    return jnp.transpose(out.reshape(b, c, h, w), (0, 2, 3, 1))

# --- scband reference (transcript-rebuilt; emitter-appended) ---
"""Pipeline reference for scband-erasing-base-51316269252812 (READ-ONLY COPY).

The authoritative reference and input builder live on the scoring server;
editing this copy changes nothing except your own understanding.
"""

import jax, jax.numpy as jnp
import numpy as np

# ErasingBase is abstract: children supply erase_in_single_image. For a runnable,
# deterministic reference we implement the canonical erase_target behavior with a
# fixed region (x_loc=100, y_loc=100, target_height=96, target_width=96), which is
# exactly what a concrete child (e.g. fixed-location RandomErasing variant) would
# do per image. erase_target zeroes img[y:y+h, x:x+w, :] on the uint8-cast image.

Y_LOC = 100
X_LOC = 100
T_H = 96
T_W = 96

def setup_inputs(seed: int = 0) -> dict:
    key = jax.random.key(seed)
    # pixel-valued images in [0, 255) so the uint8 cast is meaningful
    inputs = jax.random.uniform(key, (32, 384, 384, 3), dtype=jnp.float32, minval=0.0, maxval=255.0)
    return {"inputs": inputs}

def erase_in_single_image(img):
    # img: uint8 [H, W, C]; zero the target rectangle (scatter-overwrite)
    h, w, c = img.shape
    updates = jnp.zeros((T_H, T_W, c), dtype=img.dtype)
    return jax.lax.dynamic_update_slice(img, updates, (Y_LOC, X_LOC, 0))

def reference(inputs) -> jnp.ndarray:
    # call(..., training=True), batched 4D path:
    # cast to uint8 then map erase over the batch
    x = inputs.astype(jnp.uint8)
    out = jax.vmap(erase_in_single_image)(x)
    return out

if __name__ == "__main__":
    import jax
    _d = setup_inputs()
    print(jax.jit(kernel)(*tuple(_d.values())))

</pallas_src>

<mosaic_0001>
#map = affine_map<(d0, d1) -> (0, 0, 0)>
#map1 = affine_map<(d0, d1) -> (0, 0)>
module attributes {stable_mosaic.version = 14 : i64} {
  func.func @k(%arg0: i32, %arg1: i32, %arg2: memref<96x104x256xi8, #tpu.memory_space<hbm>>, %arg3: memref<4x16xi8, #tpu.memory_space<hbm>>, %arg4: memref<4x16xi8, #tpu.memory_space<hbm>>, %arg5: memref<96x104x256xi8, #tpu.memory_space<hbm>>, %arg6: memref<104x256xi8, #tpu.memory_space<vmem>>, %arg7: memref<4x16xi8, #tpu.memory_space<vmem>>, %arg8: memref<4x16xi8, #tpu.memory_space<vmem>>) attributes {dimension_semantics = [#tpu.dimension_semantics<core_parallel>, #tpu.dimension_semantics<subcore_parallel>], iteration_bounds = array<i64: 2, 16>, scalar_prefetch = 0 : i64, scratch_operands = 3 : i64, tpu.core_type = #tpu.core_type<sc_vector_subcore>, window_params = [{transform_indices = #map}, {transform_indices = #map1}, {transform_indices = #map1}, {transform_indices = #map}]} {
    %mul3A = arith.constant 2 : i32
    %mul3A_0 = arith.muli %arg1, %mul3A : i32
    %add3A = arith.addi %mul3A_0, %arg0 : i32
    "tpu.region"() ({
      %run_scoped3A = tpu.sem_alloc : memref<!tpu.dma_semaphore, #tpu.memory_space<semaphore_mem>>
      tpu.enqueue_dma source(%arg3 : memref<4x16xi8, #tpu.memory_space<hbm>>) target(%arg7 : memref<4x16xi8, #tpu.memory_space<vmem>>) target_semaphore(%run_scoped3A : memref<!tpu.dma_semaphore, #tpu.memory_space<semaphore_mem>>)
      tpu.wait_dma2 semaphore(%run_scoped3A : memref<!tpu.dma_semaphore, #tpu.memory_space<semaphore_mem>>) src(%arg3 : memref<4x16xi8, #tpu.memory_space<hbm>>) dst(%arg7 : memref<4x16xi8, #tpu.memory_space<vmem>>)
      tpu.yield
    }) : () -> ()
    "tpu.region"() ({
      %run_scoped3A = tpu.sem_alloc : memref<!tpu.dma_semaphore, #tpu.memory_space<semaphore_mem>>
      tpu.enqueue_dma source(%arg4 : memref<4x16xi8, #tpu.memory_space<hbm>>) target(%arg8 : memref<4x16xi8, #tpu.memory_space<vmem>>) target_semaphore(%run_scoped3A : memref<!tpu.dma_semaphore, #tpu.memory_space<semaphore_mem>>)
      tpu.wait_dma2 semaphore(%run_scoped3A : memref<!tpu.dma_semaphore, #tpu.memory_space<semaphore_mem>>) src(%arg4 : memref<4x16xi8, #tpu.memory_space<hbm>>) dst(%arg8 : memref<4x16xi8, #tpu.memory_space<vmem>>)
      tpu.yield
    }) : () -> ()
    %mul3A_1 = arith.constant 3 : i32
    %mul3A_2 = arith.muli %add3A, %mul3A_1 : i32
    %add3A_3 = arith.constant 0 : i32
    %add3A_4 = arith.addi %mul3A_2, %add3A_3 : i32
    "tpu.region"() ({
      %run_scoped3A = tpu.sem_alloc : memref<!tpu.dma_semaphore, #tpu.memory_space<semaphore_mem>>
      %dma_start3A = arith.constant 0 : i32
      %dma_start3A_30 = arith.constant 0 : i32
      %dma_start3A_31 = tpu.memref_slice %arg2[%add3A_4, %dma_start3A, %dma_start3A_30] : memref<96x104x256xi8, #tpu.memory_space<hbm>> -> memref<1x104x256xi8, #tpu.memory_space<hbm>>
      %dma_start3A_32 = tpu.memref_squeeze %dma_start3A_31 : memref<1x104x256xi8, #tpu.memory_space<hbm>> -> memref<104x256xi8, #tpu.memory_space<hbm>>
      %dma_start3A_33 = arith.constant 0 : i32
      %dma_start3A_34 = arith.constant 0 : i32
      %dma_start3A_35 = tpu.memref_slice %arg2[%add3A_4, %dma_start3A_33, %dma_start3A_34] : memref<96x104x256xi8, #tpu.memory_space<hbm>> -> memref<1x104x256xi8, #tpu.memory_space<hbm>>
      %dma_start3A_36 = tpu.memref_squeeze %dma_start3A_35 : memref<1x104x256xi8, #tpu.memory_space<hbm>> -> memref<104x256xi8, #tpu.memory_space<hbm>>
      tpu.enqueue_dma source(%dma_start3A_36 : memref<104x256xi8, #tpu.memory_space<hbm>>) target(%arg6 : memref<104x256xi8, #tpu.memory_space<vmem>>) target_semaphore(%run_scoped3A : memref<!tpu.dma_semaphore, #tpu.memory_space<semaphore_mem>>)
      %dma_wait3A = arith.constant 0 : i32
      %dma_wait3A_37 = arith.constant 0 : i32
      %dma_wait3A_38 = tpu.memref_slice %arg2[%add3A_4, %dma_wait3A, %dma_wait3A_37] : memref<96x104x256xi8, #tpu.memory_space<hbm>> -> memref<1x104x256xi8, #tpu.memory_space<hbm>>
      %dma_wait3A_39 = tpu.memref_squeeze %dma_wait3A_38 : memref<1x104x256xi8, #tpu.memory_space<hbm>> -> memref<104x256xi8, #tpu.memory_space<hbm>>
      %dma_wait3A_40 = arith.constant 0 : i32
      %dma_wait3A_41 = arith.constant 0 : i32
      %dma_wait3A_42 = tpu.memref_slice %arg2[%add3A_4, %dma_wait3A_40, %dma_wait3A_41] : memref<96x104x256xi8, #tpu.memory_space<hbm>> -> memref<1x104x256xi8, #tpu.memory_space<hbm>>
      %dma_wait3A_43 = tpu.memref_squeeze %dma_wait3A_42 : memref<1x104x256xi8, #tpu.memory_space<hbm>> -> memref<104x256xi8, #tpu.memory_space<hbm>>
      tpu.wait_dma2 semaphore(%run_scoped3A : memref<!tpu.dma_semaphore, #tpu.memory_space<semaphore_mem>>) src(%dma_wait3A_43 : memref<104x256xi8, #tpu.memory_space<hbm>>) dst(%arg6 : memref<104x256xi8, #tpu.memory_space<vmem>>)
      tpu.yield
    }) : () -> ()
    %scan3A = arith.constant 0 : i32
    %scan3A_5 = arith.constant 0 : i32
    %scan3A_6 = arith.constant 24 : i32
    %scan3A_7 = arith.addi %scan3A_5, %scan3A_6 : i32
    %scan3A_8 = arith.constant 1 : i32
    scf.for %scan3A_30 = %scan3A_5 to %scan3A_7 step %scan3A_8  : i32 {
      %mul3A_31 = arith.constant 4 : i32
      %mul3A_32 = arith.muli %mul3A_31, %scan3A_30 : i32
      %add3A_33 = arith.constant 4 : i32
      %add3A_34 = arith.addi %add3A_33, %mul3A_32 : i32
      %multiple_of3A = tpu.assume_multiple %add3A_34, 4 : i32
      %get3A = arith.constant 0 : index
      %get3A_35 = arith.constant 0 : index
      %get3A_36 = tpu.vector_load %arg7[%get3A, %get3A_35] {strides = array<i32>} : memref<4x16xi8, #tpu.memory_space<vmem>>, vector<4x16xi8>,
      %get3A_37 = vector.shape_cast %get3A_36 : vector<4x16xi8> to vector<4x16xi8>
      %get3A_38 = arith.constant 0 : index
      %get3A_39 = arith.constant 0 : index
      %get3A_40 = tpu.vector_load %arg8[%get3A_38, %get3A_39] {strides = array<i32>} : memref<4x16xi8, #tpu.memory_space<vmem>>, vector<4x16xi8>,
      %get3A_41 = vector.shape_cast %get3A_40 : vector<4x16xi8> to vector<4x16xi8>
      %get3A_42 = arith.index_cast %multiple_of3A : i32 to index
      %get3A_43 = arith.constant 96 : index
      %get3A_44 = tpu.vector_load %arg6[%get3A_42, %get3A_43] {strides = array<i32>} : memref<104x256xi8, #tpu.memory_space<vmem>>, vector<4x16xi8>,
      %get3A_45 = vector.shape_cast %get3A_44 : vector<4x16xi8> to vector<4x16xi8>
      %mul3A_46 = arith.muli %get3A_45, %get3A_37 : vector<4x16xi8>
      %swap3A = arith.index_cast %multiple_of3A : i32 to index
      %swap3A_47 = arith.constant 96 : index
      %swap3A_48 = tpu.vector_load %arg6[%swap3A, %swap3A_47] {strides = array<i32>} : memref<104x256xi8, #tpu.memory_space<vmem>>, vector<4x16xi8>,
      %swap3A_49 = vector.shape_cast %swap3A_48 : vector<4x16xi8> to vector<4x16xi8>
      %swap3A_50 = vector.shape_cast %mul3A_46 : vector<4x16xi8> to vector<4x16xi8>
      tpu.vector_store %arg6[%swap3A, %swap3A_47], %swap3A_50 {strides = array<i32>} : memref<104x256xi8, #tpu.memory_space<vmem>>, vector<4x16xi8>,
      %get3A_51 = arith.index_cast %multiple_of3A : i32 to index
      %get3A_52 = arith.constant 112 : index
      %get3A_53 = tpu.vector_load %arg6[%get3A_51, %get3A_52] {strides = array<i32>} : memref<104x256xi8, #tpu.memory_space<vmem>>, vector<4x16xi8>,
      %get3A_54 = vector.shape_cast %get3A_53 : vector<4x16xi8> to vector<4x16xi8>
      %mul3A_55 = arith.constant 0 : i8
      %mul3A_56 = vector.broadcast %mul3A_55 : i8 to vector<4x16xi8>
      %mul3A_57 = arith.muli %get3A_54, %mul3A_56 : vector<4x16xi8>
      %swap3A_58 = arith.index_cast %multiple_of3A : i32 to index
      %swap3A_59 = arith.constant 112 : index
      %swap3A_60 = tpu.vector_load %arg6[%swap3A_58, %swap3A_59] {strides = array<i32>} : memref<104x256xi8, #tpu.memory_space<vmem>>, vector<4x16xi8>,
      %swap3A_61 = vector.shape_cast %swap3A_60 : vector<4x16xi8> to vector<4x16xi8>
      %swap3A_62 = vector.shape_cast %mul3A_57 : vector<4x16xi8> to vector<4x16xi8>
      tpu.vector_store %arg6[%swap3A_58, %swap3A_59], %swap3A_62 {strides = array<i32>} : memref<104x256xi8, #tpu.memory_space<vmem>>, vector<4x16xi8>,
      %get3A_63 = arith.index_cast %multiple_of3A : i32 to index
      %get3A_64 = arith.constant 128 : index
      %get3A_65 = tpu.vector_load %arg6[%get3A_63, %get3A_64] {strides = array<i32>} : memref<104x256xi8, #tpu.memory_space<vmem>>, vector<4x16xi8>,
      %get3A_66 = vector.shape_cast %get3A_65 : vector<4x16xi8> to vector<4x16xi8>
      %mul3A_67 = arith.constant 0 : i8
      %mul3A_68 = vector.broadcast %mul3A_67 : i8 to vector<4x16xi8>
      %mul3A_69 = arith.muli %get3A_66, %mul3A_68 : vector<4x16xi8>
      %swap3A_70 = arith.index_cast %multiple_of3A : i32 to index
      %swap3A_71 = arith.constant 128 : index
      %swap3A_72 = tpu.vector_load %arg6[%swap3A_70, %swap3A_71] {strides = array<i32>} : memref<104x256xi8, #tpu.memory_space<vmem>>, vector<4x16xi8>,
      %swap3A_73 = vector.shape_cast %swap3A_72 : vector<4x16xi8> to vector<4x16xi8>
      %swap3A_74 = vector.shape_cast %mul3A_69 : vector<4x16xi8> to vector<4x16xi8>
      tpu.vector_store %arg6[%swap3A_70, %swap3A_71], %swap3A_74 {strides = array<i32>} : memref<104x256xi8, #tpu.memory_space<vmem>>, vector<4x16xi8>,
      %get3A_75 = arith.index_cast %multiple_of3A : i32 to index
      %get3A_76 = arith.constant 144 : index
      %get3A_77 = tpu.vector_load %arg6[%get3A_75, %get3A_76] {strides = array<i32>} : memref<104x256xi8, #tpu.memory_space<vmem>>, vector<4x16xi8>,
      %get3A_78 = vector.shape_cast %get3A_77 : vector<4x16xi8> to vector<4x16xi8>
      %mul3A_79 = arith.constant 0 : i8
      %mul3A_80 = vector.broadcast %mul3A_79 : i8 to vector<4x16xi8>
      %mul3A_81 = arith.muli %get3A_78, %mul3A_80 : vector<4x16xi8>
      %swap3A_82 = arith.index_cast %multiple_of3A : i32 to index
      %swap3A_83 = arith.constant 144 : index
      %swap3A_84 = tpu.vector_load %arg6[%swap3A_82, %swap3A_83] {strides = array<i32>} : memref<104x256xi8, #tpu.memory_space<vmem>>, vector<4x16xi8>,
      %swap3A_85 = vector.shape_cast %swap3A_84 : vector<4x16xi8> to vector<4x16xi8>
      %swap3A_86 = vector.shape_cast %mul3A_81 : vector<4x16xi8> to vector<4x16xi8>
      tpu.vector_store %arg6[%swap3A_82, %swap3A_83], %swap3A_86 {strides = array<i32>} : memref<104x256xi8, #tpu.memory_space<vmem>>, vector<4x16xi8>,
      %get3A_87 = arith.index_cast %multiple_of3A : i32 to index
      %get3A_88 = arith.constant 160 : index
      %get3A_89 = tpu.vector_load %arg6[%get3A_87, %get3A_88] {strides = array<i32>} : memref<104x256xi8, #tpu.memory_space<vmem>>, vector<4x16xi8>,
      %get3A_90 = vector.shape_cast %get3A_89 : vector<4x16xi8> to vector<4x16xi8>
      %mul3A_91 = arith.constant 0 : i8
      %mul3A_92 = vector.broadcast %mul3A_91 : i8 to vector<4x16xi8>
      %mul3A_93 = arith.muli %get3A_90, %mul3A_92 : vector<4x16xi8>
      %swap3A_94 = arith.index_cast %multiple_of3A : i32 to index
      %swap3A_95 = arith.constant 160 : index
      %swap3A_96 = tpu.vector_load %arg6[%swap3A_94, %swap3A_95] {strides = array<i32>} : memref<104x256xi8, #tpu.memory_space<vmem>>, vector<4x16xi8>,
      %swap3A_97 = vector.shape_cast %swap3A_96 : vector<4x16xi8> to vector<4x16xi8>
      %swap3A_98 = vector.shape_cast %mul3A_93 : vector<4x16xi8> to vector<4x16xi8>
      tpu.vector_store %arg6[%swap3A_94, %swap3A_95], %swap3A_98 {strides = array<i32>} : memref<104x256xi8, #tpu.memory_space<vmem>>, vector<4x16xi8>,
      %get3A_99 = arith.index_cast %multiple_of3A : i32 to index
      %get3A_100 = arith.constant 176 : index
      %get3A_101 = tpu.vector_load %arg6[%get3A_99, %get3A_100] {strides = array<i32>} : memref<104x256xi8, #tpu.memory_space<vmem>>, vector<4x16xi8>,
      %get3A_102 = vector.shape_cast %get3A_101 : vector<4x16xi8> to vector<4x16xi8>
      %mul3A_103 = arith.constant 0 : i8
      %mul3A_104 = vector.broadcast %mul3A_103 : i8 to vector<4x16xi8>
      %mul3A_105 = arith.muli %get3A_102, %mul3A_104 : vector<4x16xi8>
      %swap3A_106 = arith.index_cast %multiple_of3A : i32 to index
      %swap3A_107 = arith.constant 176 : index
      %swap3A_108 = tpu.vector_load %arg6[%swap3A_106, %swap3A_107] {strides = array<i32>} : memref<104x256xi8, #tpu.memory_space<vmem>>, vector<4x16xi8>,
      %swap3A_109 = vector.shape_cast %swap3A_108 : vector<4x16xi8> to vector<4x16xi8>
      %swap3A_110 = vector.shape_cast %mul3A_105 : vector<4x16xi8> to vector<4x16xi8>
      tpu.vector_store %arg6[%swap3A_106, %swap3A_107], %swap3A_110 {strides = array<i32>} : memref<104x256xi8, #tpu.memory_space<vmem>>, vector<4x16xi8>,
      %get3A_111 = arith.index_cast %multiple_of3A : i32 to index
      %get3A_112 = arith.constant 192 : index
      %get3A_113 = tpu.vector_load %arg6[%get3A_111, %get3A_112] {strides = array<i32>} : memref<104x256xi8, #tpu.memory_space<vmem>>, vector<4x16xi8>,
      %get3A_114 = vector.shape_cast %get3A_113 : vector<4x16xi8> to vector<4x16xi8>
      %mul3A_115 = arith.muli %get3A_114, %get3A_41 : vector<4x16xi8>
      %swap3A_116 = arith.index_cast %multiple_of3A : i32 to index
      %swap3A_117 = arith.constant 192 : index
      %swap3A_118 = tpu.vector_load %arg6[%swap3A_116, %swap3A_117] {strides = array<i32>} : memref<104x256xi8, #tpu.memory_space<vmem>>, vector<4x16xi8>,
      %swap3A_119 = vector.shape_cast %swap3A_118 : vector<4x16xi8> to vector<4x16xi8>
      %swap3A_120 = vector.shape_cast %mul3A_115 : vector<4x16xi8> to vector<4x16xi8>
      tpu.vector_store %arg6[%swap3A_116, %swap3A_117], %swap3A_120 {strides = array<i32>} : memref<104x256xi8, #tpu.memory_space<vmem>>, vector<4x16xi8>,
    }
    %scan3A_9 = arith.constant 24 : i32
    "tpu.region"() ({
      %run_scoped3A = tpu.sem_alloc : memref<!tpu.dma_semaphore, #tpu.memory_space<semaphore_mem>>
      %dma_start3A = arith.constant 0 : i32
      %dma_start3A_30 = arith.constant 0 : i32
      %dma_start3A_31 = tpu.memref_slice %arg5[%add3A_4, %dma_start3A, %dma_start3A_30] : memref<96x104x256xi8, #tpu.memory_space<hbm>> -> memref<1x104x256xi8, #tpu.memory_space<hbm>>
      %dma_start3A_32 = tpu.memref_squeeze %dma_start3A_31 : memref<1x104x256xi8, #tpu.memory_space<hbm>> -> memref<104x256xi8, #tpu.memory_space<hbm>>
      %dma_start3A_33 = arith.constant 0 : i32
      %dma_start3A_34 = arith.constant 0 : i32
      %dma_start3A_35 = tpu.memref_slice %arg5[%add3A_4, %dma_start3A_33, %dma_start3A_34] : memref<96x104x256xi8, #tpu.memory_space<hbm>> -> memref<1x104x256xi8, #tpu.memory_space<hbm>>
      %dma_start3A_36 = tpu.memref_squeeze %dma_start3A_35 : memref<1x104x256xi8, #tpu.memory_space<hbm>> -> memref<104x256xi8, #tpu.memory_space<hbm>>
      tpu.enqueue_dma source(%arg6 : memref<104x256xi8, #tpu.memory_space<vmem>>) target(%dma_start3A_36 : memref<104x256xi8, #tpu.memory_space<hbm>>) target_semaphore(%run_scoped3A : memref<!tpu.dma_semaphore, #tpu.memory_space<semaphore_mem>>)
      %dma_wait3A = arith.constant 0 : i32
      %dma_wait3A_37 = arith.constant 0 : i32
      %dma_wait3A_38 = tpu.memref_slice %arg5[%add3A_4, %dma_wait3A, %dma_wait3A_37] : memref<96x104x256xi8, #tpu.memory_space<hbm>> -> memref<1x104x256xi8, #tpu.memory_space<hbm>>
      %dma_wait3A_39 = tpu.memref_squeeze %dma_wait3A_38 : memref<1x104x256xi8, #tpu.memory_space<hbm>> -> memref<104x256xi8, #tpu.memory_space<hbm>>
      %dma_wait3A_40 = arith.constant 0 : i32
      %dma_wait3A_41 = arith.constant 0 : i32
      %dma_wait3A_42 = tpu.memref_slice %arg5[%add3A_4, %dma_wait3A_40, %dma_wait3A_41] : memref<96x104x256xi8, #tpu.memory_space<hbm>> -> memref<1x104x256xi8, #tpu.memory_space<hbm>>
      %dma_wait3A_43 = tpu.memref_squeeze %dma_wait3A_42 : memref<1x104x256xi8, #tpu.memory_space<hbm>> -> memref<104x256xi8, #tpu.memory_space<hbm>>
      tpu.wait_dma2 semaphore(%run_scoped3A : memref<!tpu.dma_semaphore, #tpu.memory_space<semaphore_mem>>) src(%arg6 : memref<104x256xi8, #tpu.memory_space<vmem>>) dst(%dma_wait3A_43 : memref<104x256xi8, #tpu.memory_space<hbm>>)
      tpu.yield
    }) : () -> ()
    %mul3A_10 = arith.constant 3 : i32
    %mul3A_11 = arith.muli %add3A, %mul3A_10 : i32
    %add3A_12 = arith.constant 1 : i32
    %add3A_13 = arith.addi %mul3A_11, %add3A_12 : i32
    "tpu.region"() ({
      %run_scoped3A = tpu.sem_alloc : memref<!tpu.dma_semaphore, #tpu.memory_space<semaphore_mem>>
      %dma_start3A = arith.constant 0 : i32
      %dma_start3A_30 = arith.constant 0 : i32
      %dma_start3A_31 = tpu.memref_slice %arg2[%add3A_13, %dma_start3A, %dma_start3A_30] : memref<96x104x256xi8, #tpu.memory_space<hbm>> -> memref<1x104x256xi8, #tpu.memory_space<hbm>>
      %dma_start3A_32 = tpu.memref_squeeze %dma_start3A_31 : memref<1x104x256xi8, #tpu.memory_space<hbm>> -> memref<104x256xi8, #tpu.memory_space<hbm>>
      %dma_start3A_33 = arith.constant 0 : i32
      %dma_start3A_34 = arith.constant 0 : i32
      %dma_start3A_35 = tpu.memref_slice %arg2[%add3A_13, %dma_start3A_33, %dma_start3A_34] : memref<96x104x256xi8, #tpu.memory_space<hbm>> -> memref<1x104x256xi8, #tpu.memory_space<hbm>>
      %dma_start3A_36 = tpu.memref_squeeze %dma_start3A_35 : memref<1x104x256xi8, #tpu.memory_space<hbm>> -> memref<104x256xi8, #tpu.memory_space<hbm>>
      tpu.enqueue_dma source(%dma_start3A_36 : memref<104x256xi8, #tpu.memory_space<hbm>>) target(%arg6 : memref<104x256xi8, #tpu.memory_space<vmem>>) target_semaphore(%run_scoped3A : memref<!tpu.dma_semaphore, #tpu.memory_space<semaphore_mem>>)
      %dma_wait3A = arith.constant 0 : i32
      %dma_wait3A_37 = arith.constant 0 : i32
      %dma_wait3A_38 = tpu.memref_slice %arg2[%add3A_13, %dma_wait3A, %dma_wait3A_37] : memref<96x104x256xi8, #tpu.memory_space<hbm>> -> memref<1x104x256xi8, #tpu.memory_space<hbm>>
      %dma_wait3A_39 = tpu.memref_squeeze %dma_wait3A_38 : memref<1x104x256xi8, #tpu.memory_space<hbm>> -> memref<104x256xi8, #tpu.memory_space<hbm>>
      %dma_wait3A_40 = arith.constant 0 : i32
      %dma_wait3A_41 = arith.constant 0 : i32
      %dma_wait3A_42 = tpu.memref_slice %arg2[%add3A_13, %dma_wait3A_40, %dma_wait3A_41] : memref<96x104x256xi8, #tpu.memory_space<hbm>> -> memref<1x104x256xi8, #tpu.memory_space<hbm>>
      %dma_wait3A_43 = tpu.memref_squeeze %dma_wait3A_42 : memref<1x104x256xi8, #tpu.memory_space<hbm>> -> memref<104x256xi8, #tpu.memory_space<hbm>>
      tpu.wait_dma2 semaphore(%run_scoped3A : memref<!tpu.dma_semaphore, #tpu.memory_space<semaphore_mem>>) src(%dma_wait3A_43 : memref<104x256xi8, #tpu.memory_space<hbm>>) dst(%arg6 : memref<104x256xi8, #tpu.memory_space<vmem>>)
      tpu.yield
    }) : () -> ()
    %scan3A_14 = arith.constant 0 : i32
    %scan3A_15 = arith.constant 0 : i32
    %scan3A_16 = arith.constant 24 : i32
    %scan3A_17 = arith.addi %scan3A_15, %scan3A_16 : i32
    %scan3A_18 = arith.constant 1 : i32
    scf.for %scan3A_30 = %scan3A_15 to %scan3A_17 step %scan3A_18  : i32 {
      %mul3A_31 = arith.constant 4 : i32
      %mul3A_32 = arith.muli %mul3A_31, %scan3A_30 : i32
      %add3A_33 = arith.constant 4 : i32
      %add3A_34 = arith.addi %add3A_33, %mul3A_32 : i32
      %multiple_of3A = tpu.assume_multiple %add3A_34, 4 : i32
      %get3A = arith.constant 0 : index
      %get3A_35 = arith.constant 0 : index
      %get3A_36 = tpu.vector_load %arg7[%get3A, %get3A_35] {strides = array<i32>} : memref<4x16xi8, #tpu.memory_space<vmem>>, vector<4x16xi8>,
      %get3A_37 = vector.shape_cast %get3A_36 : vector<4x16xi8> to vector<4x16xi8>
      %get3A_38 = arith.constant 0 : index
      %get3A_39 = arith.constant 0 : index
      %get3A_40 = tpu.vector_load %arg8[%get3A_38, %get3A_39] {strides = array<i32>} : memref<4x16xi8, #tpu.memory_space<vmem>>, vector<4x16xi8>,
      %get3A_41 = vector.shape_cast %get3A_40 : vector<4x16xi8> to vector<4x16xi8>
      %get3A_42 = arith.index_cast %multiple_of3A : i32 to index
      %get3A_43 = arith.constant 96 : index
      %get3A_44 = tpu.vector_load %arg6[%get3A_42, %get3A_43] {strides = array<i32>} : memref<104x256xi8, #tpu.memory_space<vmem>>, vector<4x16xi8>,
      %get3A_45 = vector.shape_cast %get3A_44 : vector<4x16xi8> to vector<4x16xi8>
      %mul3A_46 = arith.muli %get3A_45, %get3A_37 : vector<4x16xi8>
      %swap3A = arith.index_cast %multiple_of3A : i32 to index
      %swap3A_47 = arith.constant 96 : index
      %swap3A_48 = tpu.vector_load %arg6[%swap3A, %swap3A_47] {strides = array<i32>} : memref<104x256xi8, #tpu.memory_space<vmem>>, vector<4x16xi8>,
      %swap3A_49 = vector.shape_cast %swap3A_48 : vector<4x16xi8> to vector<4x16xi8>
      %swap3A_50 = vector.shape_cast %mul3A_46 : vector<4x16xi8> to vector<4x16xi8>
      tpu.vector_store %arg6[%swap3A, %swap3A_47], %swap3A_50 {strides = array<i32>} : memref<104x256xi8, #tpu.memory_space<vmem>>, vector<4x16xi8>,
      %get3A_51 = arith.index_cast %multiple_of3A : i32 to index
      %get3A_52 = arith.constant 112 : index
      %get3A_53 = tpu.vector_load %arg6[%get3A_51, %get3A_52] {strides = array<i32>} : memref<104x256xi8, #tpu.memory_space<vmem>>, vector<4x16xi8>,
      %get3A_54 = vector.shape_cast %get3A_53 : vector<4x16xi8> to vector<4x16xi8>
      %mul3A_55 = arith.constant 0 : i8
      %mul3A_56 = vector.broadcast %mul3A_55 : i8 to vector<4x16xi8>
      %mul3A_57 = arith.muli %get3A_54, %mul3A_56 : vector<4x16xi8>
      %swap3A_58 = arith.index_cast %multiple_of3A : i32 to index
      %swap3A_59 = arith.constant 112 : index
      %swap3A_60 = tpu.vector_load %arg6[%swap3A_58, %swap3A_59] {strides = array<i32>} : memref<104x256xi8, #tpu.memory_space<vmem>>, vector<4x16xi8>,
      %swap3A_61 = vector.shape_cast %swap3A_60 : vector<4x16xi8> to vector<4x16xi8>
      %swap3A_62 = vector.shape_cast %mul3A_57 : vector<4x16xi8> to vector<4x16xi8>
      tpu.vector_store %arg6[%swap3A_58, %swap3A_59], %swap3A_62 {strides = array<i32>} : memref<104x256xi8, #tpu.memory_space<vmem>>, vector<4x16xi8>,
      %get3A_63 = arith.index_cast %multiple_of3A : i32 to index
      %get3A_64 = arith.constant 128 : index
      %get3A_65 = tpu.vector_load %arg6[%get3A_63, %get3A_64] {strides = array<i32>} : memref<104x256xi8, #tpu.memory_space<vmem>>, vector<4x16xi8>,
      %get3A_66 = vector.shape_cast %get3A_65 : vector<4x16xi8> to vector<4x16xi8>
      %mul3A_67 = arith.constant 0 : i8
      %mul3A_68 = vector.broadcast %mul3A_67 : i8 to vector<4x16xi8>
      %mul3A_69 = arith.muli %get3A_66, %mul3A_68 : vector<4x16xi8>
      %swap3A_70 = arith.index_cast %multiple_of3A : i32 to index
      %swap3A_71 = arith.constant 128 : index
      %swap3A_72 = tpu.vector_load %arg6[%swap3A_70, %swap3A_71] {strides = array<i32>} : memref<104x256xi8, #tpu.memory_space<vmem>>, vector<4x16xi8>,
      %swap3A_73 = vector.shape_cast %swap3A_72 : vector<4x16xi8> to vector<4x16xi8>
      %swap3A_74 = vector.shape_cast %mul3A_69 : vector<4x16xi8> to vector<4x16xi8>
      tpu.vector_store %arg6[%swap3A_70, %swap3A_71], %swap3A_74 {strides = array<i32>} : memref<104x256xi8, #tpu.memory_space<vmem>>, vector<4x16xi8>,
      %get3A_75 = arith.index_cast %multiple_of3A : i32 to index
      %get3A_76 = arith.constant 144 : index
      %get3A_77 = tpu.vector_load %arg6[%get3A_75, %get3A_76] {strides = array<i32>} : memref<104x256xi8, #tpu.memory_space<vmem>>, vector<4x16xi8>,
      %get3A_78 = vector.shape_cast %get3A_77 : vector<4x16xi8> to vector<4x16xi8>
      %mul3A_79 = arith.constant 0 : i8
      %mul3A_80 = vector.broadcast %mul3A_79 : i8 to vector<4x16xi8>
      %mul3A_81 = arith.muli %get3A_78, %mul3A_80 : vector<4x16xi8>
      %swap3A_82 = arith.index_cast %multiple_of3A : i32 to index
      %swap3A_83 = arith.constant 144 : index
      %swap3A_84 = tpu.vector_load %arg6[%swap3A_82, %swap3A_83] {strides = array<i32>} : memref<104x256xi8, #tpu.memory_space<vmem>>, vector<4x16xi8>,
      %swap3A_85 = vector.shape_cast %swap3A_84 : vector<4x16xi8> to vector<4x16xi8>
      %swap3A_86 = vector.shape_cast %mul3A_81 : vector<4x16xi8> to vector<4x16xi8>
      tpu.vector_store %arg6[%swap3A_82, %swap3A_83], %swap3A_86 {strides = array<i32>} : memref<104x256xi8, #tpu.memory_space<vmem>>, vector<4x16xi8>,
      %get3A_87 = arith.index_cast %multiple_of3A : i32 to index
      %get3A_88 = arith.constant 160 : index
      %get3A_89 = tpu.vector_load %arg6[%get3A_87, %get3A_88] {strides = array<i32>} : memref<104x256xi8, #tpu.memory_space<vmem>>, vector<4x16xi8>,
      %get3A_90 = vector.shape_cast %get3A_89 : vector<4x16xi8> to vector<4x16xi8>
      %mul3A_91 = arith.constant 0 : i8
      %mul3A_92 = vector.broadcast %mul3A_91 : i8 to vector<4x16xi8>
      %mul3A_93 = arith.muli %get3A_90, %mul3A_92 : vector<4x16xi8>
      %swap3A_94 = arith.index_cast %multiple_of3A : i32 to index
      %swap3A_95 = arith.constant 160 : index
      %swap3A_96 = tpu.vector_load %arg6[%swap3A_94, %swap3A_95] {strides = array<i32>} : memref<104x256xi8, #tpu.memory_space<vmem>>, vector<4x16xi8>,
      %swap3A_97 = vector.shape_cast %swap3A_96 : vector<4x16xi8> to vector<4x16xi8>
      %swap3A_98 = vector.shape_cast %mul3A_93 : vector<4x16xi8> to vector<4x16xi8>
      tpu.vector_store %arg6[%swap3A_94, %swap3A_95], %swap3A_98 {strides = array<i32>} : memref<104x256xi8, #tpu.memory_space<vmem>>, vector<4x16xi8>,
      %get3A_99 = arith.index_cast %multiple_of3A : i32 to index
      %get3A_100 = arith.constant 176 : index
      %get3A_101 = tpu.vector_load %arg6[%get3A_99, %get3A_100] {strides = array<i32>} : memref<104x256xi8, #tpu.memory_space<vmem>>, vector<4x16xi8>,
      %get3A_102 = vector.shape_cast %get3A_101 : vector<4x16xi8> to vector<4x16xi8>
      %mul3A_103 = arith.constant 0 : i8
      %mul3A_104 = vector.broadcast %mul3A_103 : i8 to vector<4x16xi8>
      %mul3A_105 = arith.muli %get3A_102, %mul3A_104 : vector<4x16xi8>
      %swap3A_106 = arith.index_cast %multiple_of3A : i32 to index
      %swap3A_107 = arith.constant 176 : index
      %swap3A_108 = tpu.vector_load %arg6[%swap3A_106, %swap3A_107] {strides = array<i32>} : memref<104x256xi8, #tpu.memory_space<vmem>>, vector<4x16xi8>,
      %swap3A_109 = vector.shape_cast %swap3A_108 : vector<4x16xi8> to vector<4x16xi8>
      %swap3A_110 = vector.shape_cast %mul3A_105 : vector<4x16xi8> to vector<4x16xi8>
      tpu.vector_store %arg6[%swap3A_106, %swap3A_107], %swap3A_110 {strides = array<i32>} : memref<104x256xi8, #tpu.memory_space<vmem>>, vector<4x16xi8>,
      %get3A_111 = arith.index_cast %multiple_of3A : i32 to index
      %get3A_112 = arith.constant 192 : index
      %get3A_113 = tpu.vector_load %arg6[%get3A_111, %get3A_112] {strides = array<i32>} : memref<104x256xi8, #tpu.memory_space<vmem>>, vector<4x16xi8>,
      %get3A_114 = vector.shape_cast %get3A_113 : vector<4x16xi8> to vector<4x16xi8>
      %mul3A_115 = arith.muli %get3A_114, %get3A_41 : vector<4x16xi8>
      %swap3A_116 = arith.index_cast %multiple_of3A : i32 to index
      %swap3A_117 = arith.constant 192 : index
      %swap3A_118 = tpu.vector_load %arg6[%swap3A_116, %swap3A_117] {strides = array<i32>} : memref<104x256xi8, #tpu.memory_space<vmem>>, vector<4x16xi8>,
      %swap3A_119 = vector.shape_cast %swap3A_118 : vector<4x16xi8> to vector<4x16xi8>
      %swap3A_120 = vector.shape_cast %mul3A_115 : vector<4x16xi8> to vector<4x16xi8>
      tpu.vector_store %arg6[%swap3A_116, %swap3A_117], %swap3A_120 {strides = array<i32>} : memref<104x256xi8, #tpu.memory_space<vmem>>, vector<4x16xi8>,
    }
    %scan3A_19 = arith.constant 24 : i32
    "tpu.region"() ({
      %run_scoped3A = tpu.sem_alloc : memref<!tpu.dma_semaphore, #tpu.memory_space<semaphore_mem>>
      %dma_start3A = arith.constant 0 : i32
      %dma_start3A_30 = arith.constant 0 : i32
      %dma_start3A_31 = tpu.memref_slice %arg5[%add3A_13, %dma_start3A, %dma_start3A_30] : memref<96x104x256xi8, #tpu.memory_space<hbm>> -> memref<1x104x256xi8, #tpu.memory_space<hbm>>
      %dma_start3A_32 = tpu.memref_squeeze %dma_start3A_31 : memref<1x104x256xi8, #tpu.memory_space<hbm>> -> memref<104x256xi8, #tpu.memory_space<hbm>>
      %dma_start3A_33 = arith.constant 0 : i32
      %dma_start3A_34 = arith.constant 0 : i32
      %dma_start3A_35 = tpu.memref_slice %arg5[%add3A_13, %dma_start3A_33, %dma_start3A_34] : memref<96x104x256xi8, #tpu.memory_space<hbm>> -> memref<1x104x256xi8, #tpu.memory_space<hbm>>
      %dma_start3A_36 = tpu.memref_squeeze %dma_start3A_35 : memref<1x104x256xi8, #tpu.memory_space<hbm>> -> memref<104x256xi8, #tpu.memory_space<hbm>>
      tpu.enqueue_dma source(%arg6 : memref<104x256xi8, #tpu.memory_space<vmem>>) target(%dma_start3A_36 : memref<104x256xi8, #tpu.memory_space<hbm>>) target_semaphore(%run_scoped3A : memref<!tpu.dma_semaphore, #tpu.memory_space<semaphore_mem>>)
      %dma_wait3A = arith.constant 0 : i32
      %dma_wait3A_37 = arith.constant 0 : i32
      %dma_wait3A_38 = tpu.memref_slice %arg5[%add3A_13, %dma_wait3A, %dma_wait3A_37] : memref<96x104x256xi8, #tpu.memory_space<hbm>> -> memref<1x104x256xi8, #tpu.memory_space<hbm>>
      %dma_wait3A_39 = tpu.memref_squeeze %dma_wait3A_38 : memref<1x104x256xi8, #tpu.memory_space<hbm>> -> memref<104x256xi8, #tpu.memory_space<hbm>>
      %dma_wait3A_40 = arith.constant 0 : i32
      %dma_wait3A_41 = arith.constant 0 : i32
      %dma_wait3A_42 = tpu.memref_slice %arg5[%add3A_13, %dma_wait3A_40, %dma_wait3A_41] : memref<96x104x256xi8, #tpu.memory_space<hbm>> -> memref<1x104x256xi8, #tpu.memory_space<hbm>>
      %dma_wait3A_43 = tpu.memref_squeeze %dma_wait3A_42 : memref<1x104x256xi8, #tpu.memory_space<hbm>> -> memref<104x256xi8, #tpu.memory_space<hbm>>
      tpu.wait_dma2 semaphore(%run_scoped3A : memref<!tpu.dma_semaphore, #tpu.memory_space<semaphore_mem>>) src(%arg6 : memref<104x256xi8, #tpu.memory_space<vmem>>) dst(%dma_wait3A_43 : memref<104x256xi8, #tpu.memory_space<hbm>>)
      tpu.yield
    }) : () -> ()
    %mul3A_20 = arith.constant 3 : i32
    %mul3A_21 = arith.muli %add3A, %mul3A_20 : i32
    %add3A_22 = arith.constant 2 : i32
    %add3A_23 = arith.addi %mul3A_21, %add3A_22 : i32
    "tpu.region"() ({
      %run_scoped3A = tpu.sem_alloc : memref<!tpu.dma_semaphore, #tpu.memory_space<semaphore_mem>>
      %dma_start3A = arith.constant 0 : i32
      %dma_start3A_30 = arith.constant 0 : i32
      %dma_start3A_31 = tpu.memref_slice %arg2[%add3A_23, %dma_start3A, %dma_start3A_30] : memref<96x104x256xi8, #tpu.memory_space<hbm>> -> memref<1x104x256xi8, #tpu.memory_space<hbm>>
      %dma_start3A_32 = tpu.memref_squeeze %dma_start3A_31 : memref<1x104x256xi8, #tpu.memory_space<hbm>> -> memref<104x256xi8, #tpu.memory_space<hbm>>
      %dma_start3A_33 = arith.constant 0 : i32
      %dma_start3A_34 = arith.constant 0 : i32
      %dma_start3A_35 = tpu.memref_slice %arg2[%add3A_23, %dma_start3A_33, %dma_start3A_34] : memref<96x104x256xi8, #tpu.memory_space<hbm>> -> memref<1x104x256xi8, #tpu.memory_space<hbm>>
      %dma_start3A_36 = tpu.memref_squeeze %dma_start3A_35 : memref<1x104x256xi8, #tpu.memory_space<hbm>> -> memref<104x256xi8, #tpu.memory_space<hbm>>
      tpu.enqueue_dma source(%dma_start3A_36 : memref<104x256xi8, #tpu.memory_space<hbm>>) target(%arg6 : memref<104x256xi8, #tpu.memory_space<vmem>>) target_semaphore(%run_scoped3A : memref<!tpu.dma_semaphore, #tpu.memory_space<semaphore_mem>>)
      %dma_wait3A = arith.constant 0 : i32
      %dma_wait3A_37 = arith.constant 0 : i32
      %dma_wait3A_38 = tpu.memref_slice %arg2[%add3A_23, %dma_wait3A, %dma_wait3A_37] : memref<96x104x256xi8, #tpu.memory_space<hbm>> -> memref<1x104x256xi8, #tpu.memory_space<hbm>>
      %dma_wait3A_39 = tpu.memref_squeeze %dma_wait3A_38 : memref<1x104x256xi8, #tpu.memory_space<hbm>> -> memref<104x256xi8, #tpu.memory_space<hbm>>
      %dma_wait3A_40 = arith.constant 0 : i32
      %dma_wait3A_41 = arith.constant 0 : i32
      %dma_wait3A_42 = tpu.memref_slice %arg2[%add3A_23, %dma_wait3A_40, %dma_wait3A_41] : memref<96x104x256xi8, #tpu.memory_space<hbm>> -> memref<1x104x256xi8, #tpu.memory_space<hbm>>
      %dma_wait3A_43 = tpu.memref_squeeze %dma_wait3A_42 : memref<1x104x256xi8, #tpu.memory_space<hbm>> -> memref<104x256xi8, #tpu.memory_space<hbm>>
      tpu.wait_dma2 semaphore(%run_scoped3A : memref<!tpu.dma_semaphore, #tpu.memory_space<semaphore_mem>>) src(%dma_wait3A_43 : memref<104x256xi8, #tpu.memory_space<hbm>>) dst(%arg6 : memref<104x256xi8, #tpu.memory_space<vmem>>)
      tpu.yield
    }) : () -> ()
    %scan3A_24 = arith.constant 0 : i32
    %scan3A_25 = arith.constant 0 : i32
    %scan3A_26 = arith.constant 24 : i32
    %scan3A_27 = arith.addi %scan3A_25, %scan3A_26 : i32
    %scan3A_28 = arith.constant 1 : i32
    scf.for %scan3A_30 = %scan3A_25 to %scan3A_27 step %scan3A_28  : i32 {
      %mul3A_31 = arith.constant 4 : i32
      %mul3A_32 = arith.muli %mul3A_31, %scan3A_30 : i32
      %add3A_33 = arith.constant 4 : i32
      %add3A_34 = arith.addi %add3A_33, %mul3A_32 : i32
      %multiple_of3A = tpu.assume_multiple %add3A_34, 4 : i32
      %get3A = arith.constant 0 : index
      %get3A_35 = arith.constant 0 : index
      %get3A_36 = tpu.vector_load %arg7[%get3A, %get3A_35] {strides = array<i32>} : memref<4x16xi8, #tpu.memory_space<vmem>>, vector<4x16xi8>,
      %get3A_37 = vector.shape_cast %get3A_36 : vector<4x16xi8> to vector<4x16xi8>
      %get3A_38 = arith.constant 0 : index
      %get3A_39 = arith.constant 0 : index
      %get3A_40 = tpu.vector_load %arg8[%get3A_38, %get3A_39] {strides = array<i32>} : memref<4x16xi8, #tpu.memory_space<vmem>>, vector<4x16xi8>,
      %get3A_41 = vector.shape_cast %get3A_40 : vector<4x16xi8> to vector<4x16xi8>
      %get3A_42 = arith.index_cast %multiple_of3A : i32 to index
      %get3A_43 = arith.constant 96 : index
      %get3A_44 = tpu.vector_load %arg6[%get3A_42, %get3A_43] {strides = array<i32>} : memref<104x256xi8, #tpu.memory_space<vmem>>, vector<4x16xi8>,
      %get3A_45 = vector.shape_cast %get3A_44 : vector<4x16xi8> to vector<4x16xi8>
      %mul3A_46 = arith.muli %get3A_45, %get3A_37 : vector<4x16xi8>
      %swap3A = arith.index_cast %multiple_of3A : i32 to index
      %swap3A_47 = arith.constant 96 : index
      %swap3A_48 = tpu.vector_load %arg6[%swap3A, %swap3A_47] {strides = array<i32>} : memref<104x256xi8, #tpu.memory_space<vmem>>, vector<4x16xi8>,
      %swap3A_49 = vector.shape_cast %swap3A_48 : vector<4x16xi8> to vector<4x16xi8>
      %swap3A_50 = vector.shape_cast %mul3A_46 : vector<4x16xi8> to vector<4x16xi8>
      tpu.vector_store %arg6[%swap3A, %swap3A_47], %swap3A_50 {strides = array<i32>} : memref<104x256xi8, #tpu.memory_space<vmem>>, vector<4x16xi8>,
      %get3A_51 = arith.index_cast %multiple_of3A : i32 to index
      %get3A_52 = arith.constant 112 : index
      %get3A_53 = tpu.vector_load %arg6[%get3A_51, %get3A_52] {strides = array<i32>} : memref<104x256xi8, #tpu.memory_space<vmem>>, vector<4x16xi8>,
      %get3A_54 = vector.shape_cast %get3A_53 : vector<4x16xi8> to vector<4x16xi8>
      %mul3A_55 = arith.constant 0 : i8
      %mul3A_56 = vector.broadcast %mul3A_55 : i8 to vector<4x16xi8>
      %mul3A_57 = arith.muli %get3A_54, %mul3A_56 : vector<4x16xi8>
      %swap3A_58 = arith.index_cast %multiple_of3A : i32 to index
      %swap3A_59 = arith.constant 112 : index
      %swap3A_60 = tpu.vector_load %arg6[%swap3A_58, %swap3A_59] {strides = array<i32>} : memref<104x256xi8, #tpu.memory_space<vmem>>, vector<4x16xi8>,
      %swap3A_61 = vector.shape_cast %swap3A_60 : vector<4x16xi8> to vector<4x16xi8>
      %swap3A_62 = vector.shape_cast %mul3A_57 : vector<4x16xi8> to vector<4x16xi8>
      tpu.vector_store %arg6[%swap3A_58, %swap3A_59], %swap3A_62 {strides = array<i32>} : memref<104x256xi8, #tpu.memory_space<vmem>>, vector<4x16xi8>,
      %get3A_63 = arith.index_cast %multiple_of3A : i32 to index
      %get3A_64 = arith.constant 128 : index
      %get3A_65 = tpu.vector_load %arg6[%get3A_63, %get3A_64] {strides = array<i32>} : memref<104x256xi8, #tpu.memory_space<vmem>>, vector<4x16xi8>,
      %get3A_66 = vector.shape_cast %get3A_65 : vector<4x16xi8> to vector<4x16xi8>
      %mul3A_67 = arith.constant 0 : i8
      %mul3A_68 = vector.broadcast %mul3A_67 : i8 to vector<4x16xi8>
      %mul3A_69 = arith.muli %get3A_66, %mul3A_68 : vector<4x16xi8>
      %swap3A_70 = arith.index_cast %multiple_of3A : i32 to index
      %swap3A_71 = arith.constant 128 : index
      %swap3A_72 = tpu.vector_load %arg6[%swap3A_70, %swap3A_71] {strides = array<i32>} : memref<104x256xi8, #tpu.memory_space<vmem>>, vector<4x16xi8>,
      %swap3A_73 = vector.shape_cast %swap3A_72 : vector<4x16xi8> to vector<4x16xi8>
      %swap3A_74 = vector.shape_cast %mul3A_69 : vector<4x16xi8> to vector<4x16xi8>
      tpu.vector_store %arg6[%swap3A_70, %swap3A_71], %swap3A_74 {strides = array<i32>} : memref<104x256xi8, #tpu.memory_space<vmem>>, vector<4x16xi8>,
      %get3A_75 = arith.index_cast %multiple_of3A : i32 to index
      %get3A_76 = arith.constant 144 : index
      %get3A_77 = tpu.vector_load %arg6[%get3A_75, %get3A_76] {strides = array<i32>} : memref<104x256xi8, #tpu.memory_space<vmem>>, vector<4x16xi8>,
      %get3A_78 = vector.shape_cast %get3A_77 : vector<4x16xi8> to vector<4x16xi8>
      %mul3A_79 = arith.constant 0 : i8
      %mul3A_80 = vector.broadcast %mul3A_79 : i8 to vector<4x16xi8>
      %mul3A_81 = arith.muli %get3A_78, %mul3A_80 : vector<4x16xi8>
      %swap3A_82 = arith.index_cast %multiple_of3A : i32 to index
      %swap3A_83 = arith.constant 144 : index
      %swap3A_84 = tpu.vector_load %arg6[%swap3A_82, %swap3A_83] {strides = array<i32>} : memref<104x256xi8, #tpu.memory_space<vmem>>, vector<4x16xi8>,
      %swap3A_85 = vector.shape_cast %swap3A_84 : vector<4x16xi8> to vector<4x16xi8>
      %swap3A_86 = vector.shape_cast %mul3A_81 : vector<4x16xi8> to vector<4x16xi8>
      tpu.vector_store %arg6[%swap3A_82, %swap3A_83], %swap3A_86 {strides = array<i32>} : memref<104x256xi8, #tpu.memory_space<vmem>>, vector<4x16xi8>,
      %get3A_87 = arith.index_cast %multiple_of3A : i32 to index
      %get3A_88 = arith.constant 160 : index
      %get3A_89 = tpu.vector_load %arg6[%get3A_87, %get3A_88] {strides = array<i32>} : memref<104x256xi8, #tpu.memory_space<vmem>>, vector<4x16xi8>,
      %get3A_90 = vector.shape_cast %get3A_89 : vector<4x16xi8> to vector<4x16xi8>
      %mul3A_91 = arith.constant 0 : i8
      %mul3A_92 = vector.broadcast %mul3A_91 : i8 to vector<4x16xi8>
      %mul3A_93 = arith.muli %get3A_90, %mul3A_92 : vector<4x16xi8>
      %swap3A_94 = arith.index_cast %multiple_of3A : i32 to index
      %swap3A_95 = arith.constant 160 : index
      %swap3A_96 = tpu.vector_load %arg6[%swap3A_94, %swap3A_95] {strides = array<i32>} : memref<104x256xi8, #tpu.memory_space<vmem>>, vector<4x16xi8>,
      %swap3A_97 = vector.shape_cast %swap3A_96 : vector<4x16xi8> to vector<4x16xi8>
      %swap3A_98 = vector.shape_cast %mul3A_93 : vector<4x16xi8> to vector<4x16xi8>
      tpu.vector_store %arg6[%swap3A_94, %swap3A_95], %swap3A_98 {strides = array<i32>} : memref<104x256xi8, #tpu.memory_space<vmem>>, vector<4x16xi8>,
      %get3A_99 = arith.index_cast %multiple_of3A : i32 to index
      %get3A_100 = arith.constant 176 : index
      %get3A_101 = tpu.vector_load %arg6[%get3A_99, %get3A_100] {strides = array<i32>} : memref<104x256xi8, #tpu.memory_space<vmem>>, vector<4x16xi8>,
      %get3A_102 = vector.shape_cast %get3A_101 : vector<4x16xi8> to vector<4x16xi8>
      %mul3A_103 = arith.constant 0 : i8
      %mul3A_104 = vector.broadcast %mul3A_103 : i8 to vector<4x16xi8>
      %mul3A_105 = arith.muli %get3A_102, %mul3A_104 : vector<4x16xi8>
      %swap3A_106 = arith.index_cast %multiple_of3A : i32 to index
      %swap3A_107 = arith.constant 176 : index
      %swap3A_108 = tpu.vector_load %arg6[%swap3A_106, %swap3A_107] {strides = array<i32>} : memref<104x256xi8, #tpu.memory_space<vmem>>, vector<4x16xi8>,
      %swap3A_109 = vector.shape_cast %swap3A_108 : vector<4x16xi8> to vector<4x16xi8>
      %swap3A_110 = vector.shape_cast %mul3A_105 : vector<4x16xi8> to vector<4x16xi8>
      tpu.vector_store %arg6[%swap3A_106, %swap3A_107], %swap3A_110 {strides = array<i32>} : memref<104x256xi8, #tpu.memory_space<vmem>>, vector<4x16xi8>,
      %get3A_111 = arith.index_cast %multiple_of3A : i32 to index
      %get3A_112 = arith.constant 192 : index
      %get3A_113 = tpu.vector_load %arg6[%get3A_111, %get3A_112] {strides = array<i32>} : memref<104x256xi8, #tpu.memory_space<vmem>>, vector<4x16xi8>,
      %get3A_114 = vector.shape_cast %get3A_113 : vector<4x16xi8> to vector<4x16xi8>
      %mul3A_115 = arith.muli %get3A_114, %get3A_41 : vector<4x16xi8>
      %swap3A_116 = arith.index_cast %multiple_of3A : i32 to index
      %swap3A_117 = arith.constant 192 : index
      %swap3A_118 = tpu.vector_load %arg6[%swap3A_116, %swap3A_117] {strides = array<i32>} : memref<104x256xi8, #tpu.memory_space<vmem>>, vector<4x16xi8>,
      %swap3A_119 = vector.shape_cast %swap3A_118 : vector<4x16xi8> to vector<4x16xi8>
      %swap3A_120 = vector.shape_cast %mul3A_115 : vector<4x16xi8> to vector<4x16xi8>
      tpu.vector_store %arg6[%swap3A_116, %swap3A_117], %swap3A_120 {strides = array<i32>} : memref<104x256xi8, #tpu.memory_space<vmem>>, vector<4x16xi8>,
    }
    %scan3A_29 = arith.constant 24 : i32
    "tpu.region"() ({
      %run_scoped3A = tpu.sem_alloc : memref<!tpu.dma_semaphore, #tpu.memory_space<semaphore_mem>>
      %dma_start3A = arith.constant 0 : i32
      %dma_start3A_30 = arith.constant 0 : i32
      %dma_start3A_31 = tpu.memref_slice %arg5[%add3A_23, %dma_start3A, %dma_start3A_30] : memref<96x104x256xi8, #tpu.memory_space<hbm>> -> memref<1x104x256xi8, #tpu.memory_space<hbm>>
      %dma_start3A_32 = tpu.memref_squeeze %dma_start3A_31 : memref<1x104x256xi8, #tpu.memory_space<hbm>> -> memref<104x256xi8, #tpu.memory_space<hbm>>
      %dma_start3A_33 = arith.constant 0 : i32
      %dma_start3A_34 = arith.constant 0 : i32
      %dma_start3A_35 = tpu.memref_slice %arg5[%add3A_23, %dma_start3A_33, %dma_start3A_34] : memref<96x104x256xi8, #tpu.memory_space<hbm>> -> memref<1x104x256xi8, #tpu.memory_space<hbm>>
      %dma_start3A_36 = tpu.memref_squeeze %dma_start3A_35 : memref<1x104x256xi8, #tpu.memory_space<hbm>> -> memref<104x256xi8, #tpu.memory_space<hbm>>
      tpu.enqueue_dma source(%arg6 : memref<104x256xi8, #tpu.memory_space<vmem>>) target(%dma_start3A_36 : memref<104x256xi8, #tpu.memory_space<hbm>>) target_semaphore(%run_scoped3A : memref<!tpu.dma_semaphore, #tpu.memory_space<semaphore_mem>>)
      %dma_wait3A = arith.constant 0 : i32
      %dma_wait3A_37 = arith.constant 0 : i32
      %dma_wait3A_38 = tpu.memref_slice %arg5[%add3A_23, %dma_wait3A, %dma_wait3A_37] : memref<96x104x256xi8, #tpu.memory_space<hbm>> -> memref<1x104x256xi8, #tpu.memory_space<hbm>>
      %dma_wait3A_39 = tpu.memref_squeeze %dma_wait3A_38 : memref<1x104x256xi8, #tpu.memory_space<hbm>> -> memref<104x256xi8, #tpu.memory_space<hbm>>
      %dma_wait3A_40 = arith.constant 0 : i32
      %dma_wait3A_41 = arith.constant 0 : i32
      %dma_wait3A_42 = tpu.memref_slice %arg5[%add3A_23, %dma_wait3A_40, %dma_wait3A_41] : memref<96x104x256xi8, #tpu.memory_space<hbm>> -> memref<1x104x256xi8, #tpu.memory_space<hbm>>
      %dma_wait3A_43 = tpu.memref_squeeze %dma_wait3A_42 : memref<1x104x256xi8, #tpu.memory_space<hbm>> -> memref<104x256xi8, #tpu.memory_space<hbm>>
      tpu.wait_dma2 semaphore(%run_scoped3A : memref<!tpu.dma_semaphore, #tpu.memory_space<semaphore_mem>>) src(%arg6 : memref<104x256xi8, #tpu.memory_space<vmem>>) dst(%dma_wait3A_43 : memref<104x256xi8, #tpu.memory_space<hbm>>)
      tpu.yield
    }) : () -> ()
    return
  }
}

module attributes {stable_mosaic.version = 14 : i64} {
  func.func @_band_cast_body(%arg0: i32, %arg1: i32, %arg2: memref<12x8x256xf32, #tpu.memory_space<vmem>>, %arg3: memref<12x8x256xi8, #tpu.memory_space<vmem>>) attributes {dimension_semantics = [#tpu.dimension_semantics<arbitrary>, #tpu.dimension_semantics<arbitrary>], iteration_bounds = array<i64: 8, 13>, scalar_prefetch = 0 : i64, scratch_operands = 0 : i64, tpu.core_type = #tpu.core_type<tc>, window_params = [{transform_indices = @transform_0, window_bounds = array<i64: 12, 8, 256>}, {transform_indices = @transform_1, window_bounds = array<i64: 12, 8, 256>}]} {
    %get3A = arith.constant 0 : index
    %get3A_0 = arith.constant 0 : index
    %get3A_1 = arith.constant 0 : index
    %get3A_2 = vector.load %arg2[%get3A, %get3A_0, %get3A_1] : memref<12x8x256xf32, #tpu.memory_space<vmem>>, vector<12x8x256xf32>
    %convert_element_type3A = arith.fptoui %get3A_2 : vector<12x8x256xf32> to vector<12x8x256xi8>
    %swap3A = arith.constant 0 : index
    %swap3A_3 = arith.constant 0 : index
    %swap3A_4 = arith.constant 0 : index
    %swap3A_5 = vector.load %arg3[%swap3A, %swap3A_3, %swap3A_4] : memref<12x8x256xi8, #tpu.memory_space<vmem>>, vector<12x8x256xi8>
    tpu.vector_store %arg3[%swap3A, %swap3A_3, %swap3A_4], %convert_element_type3A {strides = array<i32>} : memref<12x8x256xi8, #tpu.memory_space<vmem>>, vector<12x8x256xi8>,
    return
  }
  func.func @transform_0(%arg0: i32, %arg1: i32) -> (i32, i32, i32) {
    %add3A = arith.constant 12 : i32
    %add3A_0 = arith.addi %arg1, %add3A : i32
    %c0_i32 = arith.constant 0 : i32
    %c0_i32_1 = arith.constant 0 : i32
    return %arg0, %add3A_0, %c0_i32 : i32, i32, i32
  }
  func.func @transform_1(%arg0: i32, %arg1: i32) -> (i32, i32, i32) {
    %c0_i32 = arith.constant 0 : i32
    %c0_i32_0 = arith.constant 0 : i32
    return %arg0, %arg1, %c0_i32 : i32, i32, i32
  }
}

module attributes {stable_mosaic.version = 14 : i64} {
  func.func @_merge_body(%arg0: i32, %arg1: memref<12x384x384xf32, #tpu.memory_space<vmem>>, %arg2: memref<12x104x256xi8, #tpu.memory_space<vmem>>, %arg3: memref<12x384x384xi8, #tpu.memory_space<vmem>>) attributes {dimension_semantics = [#tpu.dimension_semantics<arbitrary>], iteration_bounds = array<i64: 8>, scalar_prefetch = 0 : i64, scratch_operands = 0 : i64, tpu.core_type = #tpu.core_type<tc>, window_params = [{transform_indices = @transform_0, window_bounds = array<i64: 12, 384, 384>}, {transform_indices = @transform_1, window_bounds = array<i64: 12, 104, 256>}, {transform_indices = @transform_2, window_bounds = array<i64: 12, 384, 384>}]} {
    %get3A = arith.constant 0 : index
    %get3A_0 = arith.constant 0 : index
    %get3A_1 = arith.constant 0 : index
    %get3A_2 = vector.load %arg1[%get3A, %get3A_0, %get3A_1] : memref<12x384x384xf32, #tpu.memory_space<vmem>>, vector<12x384x384xf32>
    %convert_element_type3A = arith.fptoui %get3A_2 : vector<12x384x384xf32> to vector<12x384x384xi8>
    %swap3A = arith.constant 0 : index
    %swap3A_3 = arith.constant 0 : index
    %swap3A_4 = arith.constant 0 : index
    %swap3A_5 = vector.load %arg3[%swap3A, %swap3A_3, %swap3A_4] : memref<12x384x384xi8, #tpu.memory_space<vmem>>, vector<12x384x384xi8>
    tpu.vector_store %arg3[%swap3A, %swap3A_3, %swap3A_4], %convert_element_type3A {strides = array<i32>} : memref<12x384x384xi8, #tpu.memory_space<vmem>>, vector<12x384x384xi8>,
    %get3A_6 = arith.constant 0 : index
    %get3A_7 = arith.constant 0 : index
    %get3A_8 = arith.constant 0 : index
    %get3A_9 = vector.load %arg2[%get3A_6, %get3A_7, %get3A_8] : memref<12x104x256xi8, #tpu.memory_space<vmem>>, vector<12x104x256xi8>
    %swap3A_10 = arith.constant 0 : index
    %swap3A_11 = arith.constant 96 : index
    %swap3A_12 = arith.constant 0 : index
    %swap3A_13 = vector.load %arg3[%swap3A_10, %swap3A_11, %swap3A_12] : memref<12x384x384xi8, #tpu.memory_space<vmem>>, vector<12x104x256xi8>
    tpu.vector_store %arg3[%swap3A_10, %swap3A_11, %swap3A_12], %get3A_9 {strides = array<i32>} : memref<12x384x384xi8, #tpu.memory_space<vmem>>, vector<12x104x256xi8>,
    return
  }
  func.func @transform_0(%arg0: i32) -> (i32, i32, i32) {
    %c0_i32 = arith.constant 0 : i32
    %c0_i32_0 = arith.constant 0 : i32
    %c0_i32_1 = arith.constant 0 : i32
    return %arg0, %c0_i32, %c0_i32_0 : i32, i32, i32
  }
  func.func @transform_1(%arg0: i32) -> (i32, i32, i32) {
    %c0_i32 = arith.constant 0 : i32
    %c0_i32_0 = arith.constant 0 : i32
    %c0_i32_1 = arith.constant 0 : i32
    return %arg0, %c0_i32, %c0_i32_0 : i32, i32, i32
  }
  func.func @transform_2(%arg0: i32) -> (i32, i32, i32) {
    %c0_i32 = arith.constant 0 : i32
    %c0_i32_0 = arith.constant 0 : i32
    %c0_i32_1 = arith.constant 0 : i32
    return %arg0, %c0_i32, %c0_i32_0 : i32, i32, i32
  }
}

</mosaic_0001>

<sc_bundles>
// kernel: kernel.5.cloned.1.call-start
scs
__scs_entry_jumppad:
0x0: {  	(pc) =	sbr.rel $0x88, $3  }
0x1: {  	(tag) =	ssettag $0x0;
	lr =	simm.s32 $0x1  }
0x2: {  	[smem:$0x3FA0] =	sst lr;
	_ =	strace $0xD0000000  }
0x3: {  	_ = 	snop  }
0x4: {  	_ = 	snop  }
0x5: {  	_ = 	snop  }
0x6: {  	_ = 	snop  }
0x7: {  	_ = 	snop  }
__scs_overlays_trampoline_lowered:
0x8: {  	[smem:$0x3FAF] =	sst s0  }
0x9: {  	[smem:$0x3FB0] =	sst s1  }
0xa: {  	[smem:$0x3FB1] =	sst s2  }
0xb: {  	[smem:$0x3FB2] =	sst s3  }
0xc: {  	[smem:$0x3FB3] =	sst s4  }
0xd: {  	[smem:$0x3FB4] =	sst s5  }
0xe: {  	[smem:$0x3FB5] =	sst s6  }
0xf: {  	[smem:$0x3FB6] =	sst s7  }
0x10: {  	[smem:$0x3FB7] =	sst s8  }
0x11: {  	[smem:$0x3FB8] =	sst s9;
	s0 =	simm.s32 @!p0 $0x0  }
0x12: {  	s1 =	sld [smem:$0x3F9E];
	s0 =	simm.s32 @p0 $0x1  }
0x13: {  	[smem:$0x3FB9] =	sst s0;
	s0 =	simm.s32 @!p1 $0x0  }
0x14: {  	s2 =	sld [smem:$0x3F9D];
	s0 =	simm.s32 @p1 $0x1  }
0x15: {  	[smem:$0x3FBA] =	sst s0;
	s0 =	simm.s32 @!p2 $0x0  }
0x16: {  	s3 =	sld [smem:$0x3FDB];
	s0 =	simm.s32 @p2 $0x1  }
0x17: {  	s4 =	simm.s32 $0x1BF5;
	[smem:$0x3FBC] =	sst s0  }
0x18: {  	s0 =	sld [smem:$0x3F9F];
	_ =	swait.ge [sflag:s4], $0x0  }
0x19: {  	s7 =	sld [smem:$0x3FA0]  }
0x1a: {  	s8 =	sadd.s32 $0xFFFFE003, lr  }
0x1b: {  	s9 =	sadd.s32 $0xFFFFFEF7, lr;
	s5 =	simm.s32 $0xFFFFFFFF;
	p2 =	slt.u32 s8, $0xFFFFF086  }
0x1c: {  	p1 =	slt.u32 s9, $0xF7A;
	s5 =	simm.s32 @!p2 $0x0  }
0x1d: {  	s5 =	simm.s32 @p1 $0x1;
	p0 =	seq.s32 s7, s2  }
0x1e: {  	s7 =	smul.u32 @!p0 $0xF7A, s2;
	p2 =	seq.s32 @!p0 s5, $0x0  }
0x1f: {  	s9 =	smul.u32 $0xF7A, s1;
	s8 =	simm.s32 @!p0 $0x1BF5;
	p2 =	por !p2, p0  }
0x20: {  	[sflag:s8] =	ssyncset.s32 @!p0 $0xFFFFF086;
	s6 =	sadd.s32 @!p0 s3, s7;
	s7 =	simm.s32 @!p0 $0x108  }
0x21: {  	s3 =	sadd.s32 s3, s9;
	s6 =	sadd.s32 @!p0 $0x88, s6;
	s7 =	simm.s32 @p2 $0x1082  }
0x22: {  	[simem:s7], [sflag:s8] =	dma.local @!p0 [hbm:s6], $0xF7A  }
0x23: {  	s9 =	sor.u32 $0xD0000000, s2;
	s6 =	simm.s32 $0x108;
	_ =	swait.ge @!p0 [sflag:s8], $0x0  }
0x24: {  	s3 =	sadd.s32 $0x88, s3;
	s6 =	simm.s32 @!p1 $0x1082;
	[sflag:s4] =	ssyncset.s32 $0xFFFFF086  }
0x25: {  	[simem:s6], [sflag:s4] =	dma.local [hbm:s3], $0xF7A  }
0x26: {  	[smem:$0x3FA0] =	sst s1;
	(tag) =	ssettag s2;
	_ =	strace s9  }
0x27: {  	s1 =	sld [smem:$0x3FB0]  }
0x28: {  	s2 =	sld [smem:$0x3FB1]  }
0x29: {  	s4 =	sld [smem:$0x3FB3]  }
0x2a: {  	p0 =	seq.s32 s5, $0x0;
	s5 =	sld [smem:$0x3FB4]  }
0x2b: {  	s6 =	sld [smem:$0x3FB5]  }
0x2c: {  	s7 =	sld [smem:$0x3FB6]  }
0x2d: {  	s3 =	simm.s32 $0x108;
	s8 =	sld [smem:$0x3FB7]  }
0x2e: {  	s3 =	simm.s32 @!p0 $0x1082;
	s9 =	sld [smem:$0x3FB8]  }
0x2f: {  	lr =	sadd.s32 s0, s3;
	s0 =	sld [smem:$0x3FAF]  }
0x30: {  	s3 =	sld [smem:$0x3FB2]  }
0x31: {  	[smem:$0x3FBB] =	sst s10  }
0x32: {  	s10 =	sld [smem:$0x3FB9];
	_ =	sdelay $0x3  }
0x33: {  	p0 =	seq.s32 s10, $0x1;
	s10 =	sld [smem:$0x3FBB];
	_ =	sdelay $0x3  }
0x34: {  	[smem:$0x3FBB] =	sst s10  }
0x35: {  	s10 =	sld [smem:$0x3FBA];
	_ =	sdelay $0x3  }
0x36: {  	p1 =	seq.s32 s10, $0x1;
	s10 =	sld [smem:$0x3FBB];
	_ =	sdelay $0x3  }
0x37: {  	[smem:$0x3FBB] =	sst s10  }
0x38: {  	s10 =	sld [smem:$0x3FBC]  }
0x39: {  	_ = 	snop;
	(pc) =	sbr.ind lr, $3  }
0x3a: {  	_ = 	snop  }
0x3b: {  	_ = 	snop  }
0x3c: {  	p2 =	seq.s32 s10, $0x1;
	s10 =	sld [smem:$0x3FBB]  }
0x3d: {  	_ =	shalt  }
0x3e: {  	_ =	shalt  }
0x3f: {  	_ =	shalt  }
0x40: {  	_ =	shalt  }
0x41: {  	_ =	shalt  }
0x42: {  	_ =	shalt  }
0x43: {  	_ =	shalt  }
0x44: {  	_ =	shalt  }
0x45: {  	_ =	shalt  }
0x46: {  	_ =	shalt  }
0x47: {  	_ =	shalt  }
0x48: {  	_ =	shalt  }
0x49: {  	_ =	shalt  }
0x4a: {  	_ =	shalt  }
0x4b: {  	_ =	shalt  }
0x4c: {  	_ =	shalt  }
0x4d: {  	_ =	shalt  }
0x4e: {  	_ =	shalt  }
0x4f: {  	_ =	shalt  }
0x50: {  	_ =	shalt  }
0x51: {  	_ =	shalt  }
0x52: {  	_ =	shalt  }
0x53: {  	_ =	shalt  }
0x54: {  	_ =	shalt  }
0x55: {  	_ =	shalt  }
0x56: {  	_ =	shalt  }
0x57: {  	_ =	shalt  }
0x58: {  	_ =	shalt  }
0x59: {  	_ =	shalt  }
0x5a: {  	_ =	shalt  }
0x5b: {  	_ =	shalt  }
0x5c: {  	_ =	shalt  }
0x5d: {  	_ =	shalt  }
0x5e: {  	_ =	shalt  }
0x5f: {  	_ =	shalt  }
0x60: {  	_ =	shalt  }
0x61: {  	_ =	shalt  }
0x62: {  	_ =	shalt  }
0x63: {  	_ =	shalt  }
0x64: {  	_ =	shalt  }
0x65: {  	_ =	shalt  }
0x66: {  	_ =	shalt  }
0x67: {  	_ =	shalt  }
0x68: {  	_ =	shalt  }
0x69: {  	_ =	shalt  }
0x6a: {  	_ =	shalt  }
0x6b: {  	_ =	shalt  }
0x6c: {  	_ =	shalt  }
0x6d: {  	_ =	shalt  }
0x6e: {  	_ =	shalt  }
0x6f: {  	_ =	shalt  }
0x70: {  	_ =	shalt  }
0x71: {  	_ =	shalt  }
0x72: {  	_ =	shalt  }
0x73: {  	_ =	shalt  }
0x74: {  	_ =	shalt  }
0x75: {  	_ =	shalt  }
0x76: {  	_ =	shalt  }
0x77: {  	_ =	shalt  }
0x78: {  	_ =	shalt  }
0x79: {  	_ =	shalt  }
0x7a: {  	_ =	shalt  }
0x7b: {  	_ =	shalt  }
0x7c: {  	_ =	shalt  }
0x7d: {  	_ =	shalt  }
0x7e: {  	_ =	shalt  }
0x7f: {  	_ =	shalt  }
0x80: {  	_ =	shalt  }
0x81: {  	_ =	shalt  }
0x82: {  	_ =	shalt  }
0x83: {  	_ =	shalt  }
0x84: {  	_ =	shalt  }
0x85: {  	_ =	shalt  }
0x86: {  	_ =	shalt  }
0x87: {  	_ =	shalt  }
.Lfunc_end0:
.L_simem_size_0:
called_computation_lowered:
.L_overlay_start_0:
0x88: {  	s2 =	sld [smem:$0x3FD9]  }
0x89: {  	s3 =	sld [smem:$0x3FFE];
	_ =	sdelay $0x1  }
0x8a: {  	s1 =	srdreg.scid  }
0x8b: {  	s0 =	sand.u32 $0x1, s1  }
0x8c: {  	s17 =	sshll.u32 s0, $0xA;
	s2 =	sadd.s32 s3, s2  }
0x8d: {  	s2 =	sadd.s32 s2, s17  }
0x8e: {  	[smem:$0x3FC7] =	sst s2  }
0x8f: {  	_ = 	snop  }
0x90: {  	s2 =	sld [smem:$0x3FD0];
	(tm) =	ssettm $0x1  }
0x91: {  	s18 =	sld [smem:$0x3FFB];
	_ =	sdelay $0x3  }
0x92: {  	_ =	strace s18  }
0x93: {  	s3 =	sld [smem:$0x3FFC];
	_ =	sdelay $0x3  }
0x94: {  	_ =	strace s3  }
0x95: {  	s3 =	sld [smem:$0x3FFD];
	_ =	sdelay $0x3  }
0x96: {  	_ =	strace s3  }
0x97: {  	_ =	strace $0x8FFFFFFF  }
0x98: {  	s19 =	sld [smem:$0x3FDB];
	_ =	sdelay $0x1  }
0x99: {  	s4 =	simm.s32 $_scs_section_size  }
0x9a: {  	s5 =	simm.s32 $_size__tile_overlayer_lowered;
	s6 =	simm.s32 $_tile_overlayer_lowered  }
0x9b: {  	s22 =	simm.s32 $0x1BFF;
	s21 =	sshll.u32 s6, $0x1;
	s3 =	sadd.s32 s4, s19  }
0x9c: {  	s7 =	simm.s32 $0x0;
	s20 =	sshll.u32 s5, $0x1;
	s5 =	sadd.s32 s21, s3  }
0x9d: {  	[timem:s7], [sflag:s22] =	dma.local [hbm:s5], s20  }
0x9e: {  	_ =	swait.ge [sflag:s22], s20  }
0x9f: {  	s4 =	ssub.s32 $0x0, s20;
	[sflag:s22] =	ssyncset.done $0x0  }
0xa0: {  	[sflag:s22] =	ssyncadd.s32 s4;
	_ =	sdelay $0x1  }
0xa1: {  	s23 =	simm.s32 $0x1B8B  }
0xa2: {  	_ =	swait.ge [sflag:s23], $0x1  }
0xa3: {  	[sflag:s23] =	ssyncset.done $0x0  }
0xa4: {  	s25 =	simm.s32 $0x1B8E;
	s24 =	sld [smem:$0x3FFE];
	[sflag:s23] =	ssyncadd.s32 $0xFFFFFFFF  }
0xa5: {  	s26 =	simm.s32 $execute0_lowered;
	[smem:$0x3FD2] =	sst s25  }
0xa6: {  	s5 =	sshll.u32 s26, $0x1;
	_ =	strace $0x80000046;
	[dreg:$0x1] =	wrdreg $0xFFFFFFFF  }
0xa7: {  	s28 =	simm.s32 $_size_execute0_lowered;
	s3 =	sadd.s32 s3, s5;
	[dreg:$0x0] =	wrdreg $0x0  }
0xa8: {  	s5 =	sshll.u32 s28, $0x1;
	[dreg:$0x2] =	wrdreg s3  }
0xa9: {  	[dreg:$0x3] =	wrdreg s5  }
0xaa: {  	[dreg:$0x4] =	wrdreg $0xC0  }
0xab: {  	_ =	task [dreg:s7], $0x5FFFF  }
0xac: {  	[dreg:$0x1] =	wrdreg $0xFFFFFFFF  }
0xad: {  	[dreg:$0x0] =	wrdreg $0x60  }
0xae: {  	[dreg:$0x2] =	wrdreg s2  }
0xaf: {  	[dreg:$0x3] =	wrdreg s24  }
0xb0: {  	[dreg:$0x4] =	wrdreg $0x9  }
0xb1: {  	_ =	task.clear_ibuf [dreg:s7], $0x5FFFF;
	_ =	strace $0x90000046  }
0xb2: {  	s29 =	simm.s32 $0x9;
	_ =	strace $0x80000048  }
0xb3: {  	_ =	swait.ge [sflag:s29], $0x1  }
0xb4: {  	[sflag:s29] =	ssyncadd.s32 $0xFFFFFFFF  }
0xb5: {  	_ =	strace $0x90000048  }
0xb6: {  	_ =	sfence  }
0xb7: {  	s30 =	sld [smem:$0x0];
	_ =	sdelay $0x2  }
0xb8: {  	s31 =	sshll.u32 s1, $0xD;
	s1 =	sshrl.u32 s1, $0x2  }
0xb9: {  	s3 =	sand.u32 $0x4000, s31;
	s1 =	sadd.s32 s1, s30  }
0xba: {  	s0 =	sor.u32 s3, s0;
	s1 =	sshll.u32 s1, $0x11  }
0xbb: {  	s0 =	sor.u32 s1, s0  }
0xbc: {  	s0 =	sadd.s32 $0x8F2B, s0  }
0xbd: {  	[sflag:s0] =	ssyncadd.remote.s32 $0x1  }
0xbe: {  	_ =	sfence.sel $0xFFFF  }
0xbf: {  	[dreg:$0x0] =	wrdreg $0xFFFFFFFF;
	(pc) =	sbr.abs _section_cstart, $3  }
0xc0: {  	[dreg:$0x1] =	wrdreg $0xFFFFFFFF  }
0xc1: {  	_ =	task.clear_ibuf [dreg:s7], $0x2FFFF;
	_ =	strace $0x9FFFFFFF  }
0xc2: {  	(tm) =	ssettm $0x7FFFFFFF  }
0xc3: {  	_ =	shalt  }
tec
execute0_lowered:
.L_overlay_start_1:
0x0: {  	(tag) =	ssettag $0x1  }
0x1: {  	s9 =	rddreg [dreg:$0x0]  }
0x2: {  	s5 =	rddreg [dreg:$0x1]  }
0x3: {  	s0 =	rddreg [dreg:$0x2]  }
0x4: {  	s3 =	srdreg.scid;
	s1 =	stileid.u32;
	s2 =	simm.s32 $0x0  }
0x5: {  	s14 =	simm.s32 $0x1A80;
	s4 =	sand.u32 $0x1, s3;
	s29 =	sshll.u32 s1, $0x1  }
0x6: {  	s15 =	simm.s32 $0x0;
	[smem:$0x7FF] =	sst s2;
	s6 =	sor.u32 s4, s29  }
0x7: {  	s3 =	sadd.s32 $0xE00, s5;
	s8 =	ssub.s32 $0x2, s4;
	s7 =	smul.u32 $0x9C0, s6  }
0x8: {  	s10 =	sadd.s32 $0x1000, s5;
	s6 =	smul.u32 $0x13800, s6;
	s30 =	sshrl.u32 s8, $0x1  }
0x9: {  	_ =	strace $0x80000047;
	s4 =	sadd.s32 $0xC00, s5;
	s11 =	ssub.s32 s8, s30  }
0xa: {  	s5 =	sadd.s32 s9, s7;
	s31 =	sshrl.u32 s6, $0x5;
	s6 =	sadd.s32 s10, s7  }
0xb: {  	s11 =	smax.u32 s11, $0x1;
	s12 =	sadd.s32 $0x340, s31;
	s13 =	sadd.s32 $0x680, s31  }
0xc: {  	s7 =	sadd.s32 s9, s12;
	s8 =	sadd.s32 s10, s12;
	s9 =	sadd.s32 s9, s13  }
0xd: {  	v0 =	vimm.s32 $0x0;
	s10 =	sadd.s32 s10, s13;
	s12 =	simm.s32 $0x1A00;
	s13 =	simm.s32 $0x1  }
.LBB2_1:
0xe: {  	[tilespmem:s12], [sflag:$0x1] =	stream.linear.gather [hbm4b:s3+s2], $0x80, $0x38;
	[tilespmem:$0x1B00] =	vst v63  }
0xf: {  	_ =	swait.ge [sflag:s13], $0x80  }
0x10: {  	[sflag:s13] =	ssyncset.done $0x0  }
0x11: {  	[sflag:s13] =	ssyncadd.s32 $0xFFFFFF80  }
0x12: {  	[tilespmem:s14], [sflag:$0x1] =	stream.linear.gather [hbm4b:s4+s2], $0x80, $0x38;
	[tilespmem:$0x1B00] =	vst v63  }
0x13: {  	_ =	swait.ge [sflag:s13], $0x80  }
0x14: {  	[sflag:s13] =	ssyncset.done $0x0  }
0x15: {  	s16 =	simm.s32 $0x200;
	s17 =	simm.s32 $0x400;
	[sflag:s13] =	ssyncadd.s32 $0xFFFFFF80  }
0x16: {  	[tilespmem:s2], [sflag:$0x1] =	stream.linear.gather [hbm4b:s5+s2], $0x1A00, $0x38;
	[tilespmem:$0x1B00] =	vst v63  }
0x17: {  	s17 =	sand.u32 $0xF800, s17;
	s16 =	sand.u32 $0x200, s16;
	_ =	swait.ge [sflag:s13], $0x1A00  }
0x18: {  	s16 =	sor.u32 s16, s17;
	[sflag:s13] =	ssyncset.done $0x0  }
0x19: {  	s16 =	sshrl.u32 s16, $0x2;
	[sflag:s13] =	ssyncadd.s32 $0xFFFFE600  }
0x1a: {  	v1 =	vld [tilespmem:s16+$0x60]  }
0x1b: {  	v2 =	vld [tilespmem:$0x1A00];
	_ =	sdelay $0x3  }
0x1c: {  	v3 =	vunpack.c.l.s8.s16 v1  }
0x1d: {  	v1 =	vunpack.c.u.s8.s16 v1;
	v4 =	vunpack.c.u.s8.s16 v2;
	v2 =	vunpack.c.l.s8.s16 v2  }
0x1e: {  	p0 =	por $0x1, $0x1;
	s17 =	simm.s32 $0x1  }
0x1f: {  	s17 =	simm.s32 @!p0 $0x0;
	v1 =	vmul.u16 v1, v4;
	v2 =	vmul.u16 v3, v2  }
0x20: {  	s17 =	sshll.u32 s17, $0x9  }
0x21: {  	s17 =	sadd.s32 $0x400, s17;
	v1 =	vpack.c.b16.b8 v1, v2  }
0x22: {  	s18 =	sor.u32 $0x400, s17;
	v3 =	vld [tilespmem:$0x1A80];
	[tilespmem:s16+$0x70] =	vst v0  }
0x23: {  	s19 =	sor.u32 $0x440, s17;
	s18 =	sshra.s32 s18, $0x2;
	[tilespmem:s16+$0x60] =	vst v1  }
0x24: {  	s29 =	sor.u32 $0x480, s17;
	s19 =	sshra.s32 s19, $0x2;
	[tilespmem:s18+$0x0] =	vst v0  }
0x25: {  	s30 =	sor.u32 $0x4C0, s17;
	s16 =	sshra.s32 s29, $0x2;
	[tilespmem:s19+$0x0] =	vst v0  }
0x26: {  	s17 =	sor.u32 $0x500, s17;
	s18 =	sshra.s32 s30, $0x2;
	[tilespmem:s16+$0x0] =	vst v0  }
0x27: {  	s20 =	sshra.s32 s17, $0x2;
	[tilespmem:s18+$0x0] =	vst v0  }
0x28: {  	v1 =	vld [tilespmem:s20+$0x0];
	_ =	sdelay $0x3  }
0x29: {  	v2 =	vunpack.c.u.s8.s16 v3  }
0x2a: {  	v3 =	vunpack.c.l.s8.s16 v3;
	v63 =	vunpack.c.u.s8.s16 v1;
	v1 =	vunpack.c.l.s8.s16 v1;
	_ =	sdelay $0x1  }
0x2b: {  	s31 =	simm.s32 $0x400;
	v2 =	vmul.u16 v63, v2;
	v1 =	vmul.u16 v1, v3  }
0x2c: {  	s21 =	simm.s32 $0x600;
	p0 =	por !p0, !p0;
	s17 =	simm.s32 $0x800  }
0x2d: {  	s22 =	sand.u32 $0xF800, s17;
	s19 =	sand.u32 $0x200, s31;
	s16 =	simm.s32 $0x400;
	v1 =	vpack.c.b16.b8 v2, v1  }
.LBB2_2:
0x2e: {  	s22 =	sor.u32 s19, s22  }
0x2f: {  	s16 =	sadd.s32 $0x400, s16;
	s19 =	smov.u32 s21;
	s18 =	sadd.s32 $0x200, s21  }
0x30: {  	p1 =	sne.s32 s21, $0x3000;
	s21 =	sshrl.u32 s22, $0x2;
	[tilespmem:s20+$0x0] =	vst v1  }
0x31: {  	v1 =	vld [tilespmem:s21+$0x60]  }
0x32: {  	v2 =	vld [tilespmem:$0x1A00];
	_ =	sdelay $0x3  }
0x33: {  	v3 =	vunpack.c.l.s8.s16 v1  }
0x34: {  	s20 =	simm.s32 $0x1;
	v1 =	vunpack.c.u.s8.s16 v1;
	v4 =	vunpack.c.u.s8.s16 v2;
	v2 =	vunpack.c.l.s8.s16 v2  }
0x35: {  	s20 =	simm.s32 @!p0 $0x0  }
0x36: {  	s20 =	sshll.u32 s20, $0x9;
	v1 =	vmul.u16 v1, v4;
	v2 =	vmul.u16 v3, v2  }
0x37: {  	s20 =	sadd.s32 s20, s16  }
0x38: {  	s22 =	sor.u32 $0x400, s20;
	s23 =	sor.u32 $0x440, s20;
	s24 =	sor.u32 $0x480, s20;
	v3 =	vld [tilespmem:$0x1A80];
	v1 =	vpack.c.b16.b8 v1, v2  }
0x39: {  	s25 =	sor.u32 $0x4C0, s20;
	s20 =	sor.u32 $0x500, s20;
	s22 =	sshra.s32 s22, $0x2;
	[tilespmem:s21+$0x70] =	vst v0  }
0x3a: {  	[tilespmem:s21+$0x60] =	vst v1;
	s21 =	sshra.s32 s23, $0x2  }
0x3b: {  	[tilespmem:s22+$0x0] =	vst v0;
	s22 =	sshra.s32 s24, $0x2  }
0x3c: {  	[tilespmem:s21+$0x0] =	vst v0;
	s21 =	sshra.s32 s25, $0x2  }
0x3d: {  	s20 =	sshra.s32 s20, $0x2;
	[tilespmem:s22+$0x0] =	vst v0  }
0x3e: {  	[tilespmem:s21+$0x0] =	vst v0  }
0x3f: {  	v1 =	vld [tilespmem:s20+$0x0];
	_ =	sdelay $0x3  }
0x40: {  	v2 =	vunpack.c.u.s8.s16 v3;
	v3 =	vunpack.c.l.s8.s16 v3  }
.Ltmp0:
0x41: {  	v4 =	vunpack.c.u.s8.s16 v1;
	v1 =	vunpack.c.l.s8.s16 v1;
	(pc) =	sbr.rel @p1 .LBB2_2-.Ltmp0, $4  }
0x42: {  	_ = 	snop  }
0x43: {  	v2 =	vmul.u16 v4, v2;
	v1 =	vmul.u16 v1, v3  }
0x44: {  	s17 =	sadd.s32 $0x400, s17;
	s19 =	sand.u32 $0x200, s19  }
0x45: {  	p0 =	por !p0, !p0;
	s22 =	sand.u32 $0xF800, s17;
	s21 =	smov.u32 s18;
	v1 =	vpack.c.b16.b8 v2, v1  }
0x46: {  	s17 =	sor.u32 s19, s22  }
0x47: {  	s17 =	sshrl.u32 s17, $0x2;
	[tilespmem:s20+$0x0] =	vst v1  }
0x48: {  	v1 =	vld [tilespmem:s17+$0x60]  }
0x49: {  	v2 =	vld [tilespmem:$0x1A00];
	_ =	sdelay $0x3  }
0x4a: {  	v3 =	vunpack.c.l.s8.s16 v1  }
0x4b: {  	v1 =	vunpack.c.u.s8.s16 v1;
	v4 =	vunpack.c.u.s8.s16 v2;
	v2 =	vunpack.c.l.s8.s16 v2  }
0x4c: {  	s18 =	simm.s32 $0x1  }
0x4d: {  	s18 =	simm.s32 @!p0 $0x0;
	v1 =	vmul.u16 v1, v4;
	v2 =	vmul.u16 v3, v2  }
0x4e: {  	s16 =	sadd.s32 $0x400, s16;
	s18 =	sshll.u32 s18, $0x9  }
0x4f: {  	s16 =	sadd.s32 s18, s16;
	v1 =	vpack.c.b16.b8 v1, v2  }
0x50: {  	s18 =	sor.u32 $0x400, s16;
	v3 =	vld [tilespmem:$0x1A80];
	[tilespmem:s17+$0x70] =	vst v0  }
0x51: {  	s20 =	sor.u32 $0x440, s16;
	s18 =	sshra.s32 s18, $0x2;
	[tilespmem:s17+$0x60] =	vst v1  }
0x52: {  	s21 =	sor.u32 $0x480, s16;
	s19 =	sshra.s32 s20, $0x2;
	[tilespmem:s18+$0x0] =	vst v0  }
0x53: {  	s22 =	sor.u32 $0x4C0, s16;
	s17 =	sshra.s32 s21, $0x2;
	[tilespmem:s19+$0x0] =	vst v0  }
0x54: {  	s16 =	sor.u32 $0x500, s16;
	s18 =	sshra.s32 s22, $0x2;
	[tilespmem:s17+$0x0] =	vst v0  }
0x55: {  	s16 =	sshra.s32 s16, $0x2;
	[tilespmem:s18+$0x0] =	vst v0  }
0x56: {  	v1 =	vld [tilespmem:s16+$0x0];
	_ =	sdelay $0x3  }
0x57: {  	v2 =	vunpack.c.u.s8.s16 v3  }
0x58: {  	v3 =	vunpack.c.l.s8.s16 v3;
	v61 =	vunpack.c.u.s8.s16 v1;
	v1 =	vunpack.c.l.s8.s16 v1;
	_ =	sdelay $0x1  }
0x59: {  	v2 =	vmul.u16 v61, v2;
	v1 =	vmul.u16 v1, v3;
	_ =	sdelay $0x1  }
0x5a: {  	v1 =	vpack.c.b16.b8 v2, v1;
	_ =	sdelay $0x1  }
0x5b: {  	s23 =	simm.s32 $0x0;
	[tilespmem:s16+$0x0] =	vst v1  }
0x5c: {  	[hbm4b:s6+s23] =	stream.linear.scatter [tilespmem:s23], [sflag:$0x1], $0x1A00, $0x38;
	[tilespmem:$0x1B00] =	vst v63  }
0x5d: {  	_ =	swait.ge [sflag:s13], $0x1A00  }
0x5e: {  	[sflag:s13] =	ssyncset.done $0x0  }
0x5f: {  	s24 =	simm.s32 $0x200;
	s25 =	simm.s32 $0x400;
	[sflag:s13] =	ssyncadd.s32 $0xFFFFE600  }
0x60: {  	[tilespmem:s23], [sflag:$0x1] =	stream.linear.gather [hbm4b:s7+s23], $0x1A00, $0x38;
	[tilespmem:$0x1B00] =	vst v63  }
0x61: {  	s17 =	sand.u32 $0xF800, s25;
	s16 =	sand.u32 $0x200, s24;
	_ =	swait.ge [sflag:s13], $0x1A00  }
0x62: {  	s16 =	sor.u32 s16, s17;
	[sflag:s13] =	ssyncset.done $0x0  }
0x63: {  	s16 =	sshrl.u32 s16, $0x2;
	[sflag:s13] =	ssyncadd.s32 $0xFFFFE600  }
0x64: {  	v1 =	vld [tilespmem:s16+$0x60]  }
0x65: {  	v2 =	vld [tilespmem:$0x1A00];
	_ =	sdelay $0x3  }
0x66: {  	v3 =	vunpack.c.l.s8.s16 v1  }
0x67: {  	v1 =	vunpack.c.u.s8.s16 v1;
	v62 =	vunpack.c.u.s8.s16 v2;
	v2 =	vunpack.c.l.s8.s16 v2  }
0x68: {  	p0 =	por $0x1, $0x1;
	s17 =	simm.s32 $0x1  }
0x69: {  	s17 =	simm.s32 @!p0 $0x0;
	v1 =	vmul.u16 v1, v62;
	v2 =	vmul.u16 v3, v2  }
0x6a: {  	s17 =	sshll.u32 s17, $0x9  }
0x6b: {  	s17 =	sadd.s32 $0x400, s17;
	v1 =	vpack.c.b16.b8 v1, v2  }
0x6c: {  	s26 =	sor.u32 $0x400, s17;
	v3 =	vld [tilespmem:$0x1A80];
	[tilespmem:s16+$0x70] =	vst v0  }
0x6d: {  	s28 =	sor.u32 $0x440, s17;
	s18 =	sshra.s32 s26, $0x2;
	[tilespmem:s16+$0x60] =	vst v1  }
0x6e: {  	s29 =	sor.u32 $0x480, s17;
	s19 =	sshra.s32 s28, $0x2;
	[tilespmem:s18+$0x0] =	vst v0  }
0x6f: {  	s30 =	sor.u32 $0x4C0, s17;
	s16 =	sshra.s32 s29, $0x2;
	[tilespmem:s19+$0x0] =	vst v0  }
0x70: {  	s17 =	sor.u32 $0x500, s17;
	s18 =	sshra.s32 s30, $0x2;
	[tilespmem:s16+$0x0] =	vst v0  }
0x71: {  	s20 =	sshra.s32 s17, $0x2;
	[tilespmem:s18+$0x0] =	vst v0  }
0x72: {  	v1 =	vld [tilespmem:s20+$0x0];
	_ =	sdelay $0x3  }
0x73: {  	v2 =	vunpack.c.u.s8.s16 v3  }
0x74: {  	v3 =	vunpack.c.l.s8.s16 v3;
	v63 =	vunpack.c.u.s8.s16 v1;
	v1 =	vunpack.c.l.s8.s16 v1;
	_ =	sdelay $0x1  }
0x75: {  	s31 =	simm.s32 $0x400;
	v2 =	vmul.u16 v63, v2;
	v1 =	vmul.u16 v1, v3  }
0x76: {  	s21 =	simm.s32 $0x600;
	p0 =	por !p0, !p0;
	s17 =	simm.s32 $0x800  }
0x77: {  	s22 =	sand.u32 $0xF800, s17;
	s19 =	sand.u32 $0x200, s31;
	s16 =	simm.s32 $0x400;
	v1 =	vpack.c.b16.b8 v2, v1  }
.LBB2_4:
0x78: {  	s22 =	sor.u32 s19, s22  }
0x79: {  	s16 =	sadd.s32 $0x400, s16;
	s19 =	smov.u32 s21;
	s18 =	sadd.s32 $0x200, s21  }
0x7a: {  	p1 =	sne.s32 s21, $0x3000;
	s21 =	sshrl.u32 s22, $0x2;
	[tilespmem:s20+$0x0] =	vst v1  }
0x7b: {  	v1 =	vld [tilespmem:s21+$0x60]  }
0x7c: {  	v2 =	vld [tilespmem:$0x1A00];
	_ =	sdelay $0x3  }
0x7d: {  	v3 =	vunpack.c.l.s8.s16 v1  }
0x7e: {  	s20 =	simm.s32 $0x1;
	v1 =	vunpack.c.u.s8.s16 v1;
	v4 =	vunpack.c.u.s8.s16 v2;
	v2 =	vunpack.c.l.s8.s16 v2  }
0x7f: {  	s20 =	simm.s32 @!p0 $0x0  }
0x80: {  	s20 =	sshll.u32 s20, $0x9;
	v1 =	vmul.u16 v1, v4;
	v2 =	vmul.u16 v3, v2  }
0x81: {  	s20 =	sadd.s32 s20, s16  }
0x82: {  	s22 =	sor.u32 $0x400, s20;
	s23 =	sor.u32 $0x440, s20;
	s24 =	sor.u32 $0x480, s20;
	v3 =	vld [tilespmem:$0x1A80];
	v1 =	vpack.c.b16.b8 v1, v2  }
0x83: {  	s25 =	sor.u32 $0x4C0, s20;
	s20 =	sor.u32 $0x500, s20;
	s22 =	sshra.s32 s22, $0x2;
	[tilespmem:s21+$0x70] =	vst v0  }
0x84: {  	[tilespmem:s21+$0x60] =	vst v1;
	s21 =	sshra.s32 s23, $0x2  }
0x85: {  	[tilespmem:s22+$0x0] =	vst v0;
	s22 =	sshra.s32 s24, $0x2  }
0x86: {  	[tilespmem:s21+$0x0] =	vst v0;
	s21 =	sshra.s32 s25, $0x2  }
0x87: {  	s20 =	sshra.s32 s20, $0x2;
	[tilespmem:s22+$0x0] =	vst v0  }
0x88: {  	[tilespmem:s21+$0x0] =	vst v0  }
0x89: {  	v1 =	vld [tilespmem:s20+$0x0];
	_ =	sdelay $0x3  }
0x8a: {  	v2 =	vunpack.c.u.s8.s16 v3;
	v3 =	vunpack.c.l.s8.s16 v3  }
.Ltmp1:
0x8b: {  	v4 =	vunpack.c.u.s8.s16 v1;
	v1 =	vunpack.c.l.s8.s16 v1;
	(pc) =	sbr.rel @p1 .LBB2_4-.Ltmp1, $4  }
0x8c: {  	_ = 	snop  }
0x8d: {  	v2 =	vmul.u16 v4, v2;
	v1 =	vmul.u16 v1, v3  }
0x8e: {  	s17 =	sadd.s32 $0x400, s17;
	s19 =	sand.u32 $0x200, s19  }
0x8f: {  	p0 =	por !p0, !p0;
	s22 =	sand.u32 $0xF800, s17;
	s21 =	smov.u32 s18;
	v1 =	vpack.c.b16.b8 v2, v1  }
0x90: {  	s17 =	sor.u32 s19, s22  }
0x91: {  	s17 =	sshrl.u32 s17, $0x2;
	[tilespmem:s20+$0x0] =	vst v1  }
0x92: {  	v1 =	vld [tilespmem:s17+$0x60]  }
0x93: {  	v2 =	vld [tilespmem:$0x1A00];
	_ =	sdelay $0x3  }
0x94: {  	v3 =	vunpack.c.l.s8.s16 v1  }
0x95: {  	v1 =	vunpack.c.u.s8.s16 v1;
	v4 =	vunpack.c.u.s8.s16 v2;
	v2 =	vunpack.c.l.s8.s16 v2  }
0x96: {  	s18 =	simm.s32 $0x1  }
0x97: {  	s18 =	simm.s32 @!p0 $0x0;
	v1 =	vmul.u16 v1, v4;
	v2 =	vmul.u16 v3, v2  }
0x98: {  	s16 =	sadd.s32 $0x400, s16;
	s18 =	sshll.u32 s18, $0x9  }
0x99: {  	s16 =	sadd.s32 s18, s16;
	v1 =	vpack.c.b16.b8 v1, v2  }
0x9a: {  	s18 =	sor.u32 $0x400, s16;
	v3 =	vld [tilespmem:$0x1A80];
	[tilespmem:s17+$0x70] =	vst v0  }
0x9b: {  	s20 =	sor.u32 $0x440, s16;
	s18 =	sshra.s32 s18, $0x2;
	[tilespmem:s17+$0x60] =	vst v1  }
0x9c: {  	s21 =	sor.u32 $0x480, s16;
	s19 =	sshra.s32 s20, $0x2;
	[tilespmem:s18+$0x0] =	vst v0  }
0x9d: {  	s22 =	sor.u32 $0x4C0, s16;
	s17 =	sshra.s32 s21, $0x2;
	[tilespmem:s19+$0x0] =	vst v0  }
0x9e: {  	s16 =	sor.u32 $0x500, s16;
	s18 =	sshra.s32 s22, $0x2;
	[tilespmem:s17+$0x0] =	vst v0  }
0x9f: {  	s16 =	sshra.s32 s16, $0x2;
	[tilespmem:s18+$0x0] =	vst v0  }
0xa0: {  	v1 =	vld [tilespmem:s16+$0x0];
	_ =	sdelay $0x3  }
0xa1: {  	v2 =	vunpack.c.u.s8.s16 v3  }
0xa2: {  	v3 =	vunpack.c.l.s8.s16 v3;
	v61 =	vunpack.c.u.s8.s16 v1;
	v1 =	vunpack.c.l.s8.s16 v1;
	_ =	sdelay $0x1  }
0xa3: {  	v2 =	vmul.u16 v61, v2;
	v1 =	vmul.u16 v1, v3;
	_ =	sdelay $0x1  }
0xa4: {  	v1 =	vpack.c.b16.b8 v2, v1;
	_ =	sdelay $0x1  }
0xa5: {  	s23 =	simm.s32 $0x0;
	[tilespmem:s16+$0x0] =	vst v1  }
0xa6: {  	[hbm4b:s8+s23] =	stream.linear.scatter [tilespmem:s23], [sflag:$0x1], $0x1A00, $0x38;
	[tilespmem:$0x1B00] =	vst v63  }
0xa7: {  	_ =	swait.ge [sflag:s13], $0x1A00  }
0xa8: {  	[sflag:s13] =	ssyncset.done $0x0  }
0xa9: {  	s24 =	simm.s32 $0x200;
	s25 =	simm.s32 $0x400;
	[sflag:s13] =	ssyncadd.s32 $0xFFFFE600  }
0xaa: {  	[tilespmem:s23], [sflag:$0x1] =	stream.linear.gather [hbm4b:s9+s23], $0x1A00, $0x38;
	[tilespmem:$0x1B00] =	vst v63  }
0xab: {  	s17 =	sand.u32 $0xF800, s25;
	s16 =	sand.u32 $0x200, s24;
	_ =	swait.ge [sflag:s13], $0x1A00  }
0xac: {  	s16 =	sor.u32 s16, s17;
	[sflag:s13] =	ssyncset.done $0x0  }
0xad: {  	s16 =	sshrl.u32 s16, $0x2;
	[sflag:s13] =	ssyncadd.s32 $0xFFFFE600  }
0xae: {  	v1 =	vld [tilespmem:s16+$0x60]  }
0xaf: {  	v2 =	vld [tilespmem:$0x1A00];
	_ =	sdelay $0x3  }
0xb0: {  	v3 =	vunpack.c.l.s8.s16 v1  }
0xb1: {  	v1 =	vunpack.c.u.s8.s16 v1;
	v62 =	vunpack.c.u.s8.s16 v2;
	v2 =	vunpack.c.l.s8.s16 v2  }
0xb2: {  	p0 =	por $0x1, $0x1;
	s17 =	simm.s32 $0x1  }
0xb3: {  	s17 =	simm.s32 @!p0 $0x0;
	v1 =	vmul.u16 v1, v62;
	v2 =	vmul.u16 v3, v2  }
0xb4: {  	s17 =	sshll.u32 s17, $0x9  }
0xb5: {  	s17 =	sadd.s32 $0x400, s17;
	v1 =	vpack.c.b16.b8 v1, v2  }
0xb6: {  	s26 =	sor.u32 $0x400, s17;
	v3 =	vld [tilespmem:$0x1A80];
	[tilespmem:s16+$0x70] =	vst v0  }
0xb7: {  	s28 =	sor.u32 $0x440, s17;
	s18 =	sshra.s32 s26, $0x2;
	[tilespmem:s16+$0x60] =	vst v1  }
0xb8: {  	s29 =	sor.u32 $0x480, s17;
	s19 =	sshra.s32 s28, $0x2;
	[tilespmem:s18+$0x0] =	vst v0  }
0xb9: {  	s30 =	sor.u32 $0x4C0, s17;
	s16 =	sshra.s32 s29, $0x2;
	[tilespmem:s19+$0x0] =	vst v0  }
0xba: {  	s17 =	sor.u32 $0x500, s17;
	s18 =	sshra.s32 s30, $0x2;
	[tilespmem:s16+$0x0] =	vst v0  }
0xbb: {  	s20 =	sshra.s32 s17, $0x2;
	[tilespmem:s18+$0x0] =	vst v0  }
0xbc: {  	v1 =	vld [tilespmem:s20+$0x0];
	_ =	sdelay $0x3  }
0xbd: {  	v2 =	vunpack.c.u.s8.s16 v3  }
0xbe: {  	v3 =	vunpack.c.l.s8.s16 v3;
	v63 =	vunpack.c.u.s8.s16 v1;
	v1 =	vunpack.c.l.s8.s16 v1;
	_ =	sdelay $0x1  }
0xbf: {  	s31 =	simm.s32 $0x400;
	v2 =	vmul.u16 v63, v2;
	v1 =	vmul.u16 v1, v3  }
0xc0: {  	s21 =	simm.s32 $0x600;
	p0 =	por !p0, !p0;
	s17 =	simm.s32 $0x800  }
0xc1: {  	s22 =	sand.u32 $0xF800, s17;
	s19 =	sand.u32 $0x200, s31;
	s16 =	simm.s32 $0x400;
	v1 =	vpack.c.b16.b8 v2, v1  }
.LBB2_6:
0xc2: {  	s22 =	sor.u32 s19, s22  }
0xc3: {  	s16 =	sadd.s32 $0x400, s16;
	s19 =	smov.u32 s21;
	s18 =	sadd.s32 $0x200, s21  }
0xc4: {  	p1 =	sne.s32 s21, $0x3000;
	s21 =	sshrl.u32 s22, $0x2;
	[tilespmem:s20+$0x0] =	vst v1  }
0xc5: {  	v1 =	vld [tilespmem:s21+$0x60]  }
0xc6: {  	v2 =	vld [tilespmem:$0x1A00];
	_ =	sdelay $0x3  }
0xc7: {  	v3 =	vunpack.c.l.s8.s16 v1  }
0xc8: {  	s20 =	simm.s32 $0x1;
	v1 =	vunpack.c.u.s8.s16 v1;
	v4 =	vunpack.c.u.s8.s16 v2;
	v2 =	vunpack.c.l.s8.s16 v2  }
0xc9: {  	s20 =	simm.s32 @!p0 $0x0  }
0xca: {  	s20 =	sshll.u32 s20, $0x9;
	v1 =	vmul.u16 v1, v4;
	v2 =	vmul.u16 v3, v2  }
0xcb: {  	s20 =	sadd.s32 s20, s16  }
0xcc: {  	s22 =	sor.u32 $0x400, s20;
	s23 =	sor.u32 $0x440, s20;
	s24 =	sor.u32 $0x480, s20;
	v3 =	vld [tilespmem:$0x1A80];
	v1 =	vpack.c.b16.b8 v1, v2  }
0xcd: {  	s25 =	sor.u32 $0x4C0, s20;
	s20 =	sor.u32 $0x500, s20;
	s22 =	sshra.s32 s22, $0x2;
	[tilespmem:s21+$0x70] =	vst v0  }
0xce: {  	[tilespmem:s21+$0x60] =	vst v1;
	s21 =	sshra.s32 s23, $0x2  }
0xcf: {  	[tilespmem:s22+$0x0] =	vst v0;
	s22 =	sshra.s32 s24, $0x2  }
0xd0: {  	[tilespmem:s21+$0x0] =	vst v0;
	s21 =	sshra.s32 s25, $0x2  }
0xd1: {  	s20 =	sshra.s32 s20, $0x2;
	[tilespmem:s22+$0x0] =	vst v0  }
0xd2: {  	[tilespmem:s21+$0x0] =	vst v0  }
0xd3: {  	v1 =	vld [tilespmem:s20+$0x0];
	_ =	sdelay $0x3  }
0xd4: {  	v2 =	vunpack.c.u.s8.s16 v3;
	v3 =	vunpack.c.l.s8.s16 v3  }
.Ltmp2:
0xd5: {  	v4 =	vunpack.c.u.s8.s16 v1;
	v1 =	vunpack.c.l.s8.s16 v1;
	(pc) =	sbr.rel @p1 .LBB2_6-.Ltmp2, $4  }
0xd6: {  	_ = 	snop  }
0xd7: {  	v2 =	vmul.u16 v4, v2;
	v1 =	vmul.u16 v1, v3  }
0xd8: {  	s17 =	sadd.s32 $0x400, s17;
	s19 =	sand.u32 $0x200, s19  }
0xd9: {  	p0 =	por !p0, !p0;
	s22 =	sand.u32 $0xF800, s17;
	s21 =	smov.u32 s18;
	v1 =	vpack.c.b16.b8 v2, v1  }
0xda: {  	s17 =	sor.u32 s19, s22  }
0xdb: {  	s17 =	sshrl.u32 s17, $0x2;
	[tilespmem:s20+$0x0] =	vst v1  }
0xdc: {  	v1 =	vld [tilespmem:s17+$0x60]  }
0xdd: {  	v2 =	vld [tilespmem:$0x1A00];
	_ =	sdelay $0x3  }
0xde: {  	v3 =	vunpack.c.l.s8.s16 v1  }
0xdf: {  	v1 =	vunpack.c.u.s8.s16 v1;
	v4 =	vunpack.c.u.s8.s16 v2;
	v2 =	vunpack.c.l.s8.s16 v2  }
0xe0: {  	s18 =	simm.s32 $0x1  }
0xe1: {  	s18 =	simm.s32 @!p0 $0x0;
	v1 =	vmul.u16 v1, v4;
	v2 =	vmul.u16 v3, v2  }
0xe2: {  	s16 =	sadd.s32 $0x400, s16;
	s18 =	sshll.u32 s18, $0x9  }
0xe3: {  	s16 =	sadd.s32 s18, s16;
	v1 =	vpack.c.b16.b8 v1, v2  }
0xe4: {  	s18 =	sor.u32 $0x400, s16;
	v3 =	vld [tilespmem:$0x1A80];
	[tilespmem:s17+$0x70] =	vst v0  }
0xe5: {  	s29 =	sor.u32 $0x440, s16;
	s18 =	sshra.s32 s18, $0x2;
	[tilespmem:s17+$0x60] =	vst v1  }
0xe6: {  	s30 =	sor.u32 $0x480, s16;
	s19 =	sshra.s32 s29, $0x2;
	[tilespmem:s18+$0x0] =	vst v0  }
0xe7: {  	s31 =	sor.u32 $0x4C0, s16;
	s17 =	sshra.s32 s30, $0x2;
	[tilespmem:s19+$0x0] =	vst v0  }
0xe8: {  	s16 =	sor.u32 $0x500, s16;
	s18 =	sshra.s32 s31, $0x2;
	[tilespmem:s17+$0x0] =	vst v0  }
0xe9: {  	s16 =	sshra.s32 s16, $0x2;
	[tilespmem:s18+$0x0] =	vst v0  }
0xea: {  	v1 =	vld [tilespmem:s16+$0x0];
	_ =	sdelay $0x3  }
0xeb: {  	v2 =	vunpack.c.u.s8.s16 v3  }
0xec: {  	v3 =	vunpack.c.l.s8.s16 v3;
	v63 =	vunpack.c.u.s8.s16 v1;
	v1 =	vunpack.c.l.s8.s16 v1;
	_ =	sdelay $0x1  }
0xed: {  	v2 =	vmul.u16 v63, v2;
	v1 =	vmul.u16 v1, v3;
	_ =	sdelay $0x1  }
0xee: {  	s15 =	sadd.s32 $0x1, s15;
	v1 =	vpack.c.b16.b8 v2, v1  }
0xef: {  	p0 =	sne.s32 s15, s11  }
.Ltmp3:
0xf0: {  	[tilespmem:s16+$0x0] =	vst v1;
	(pc) =	sbr.rel @p0 .LBB2_1-.Ltmp3, $4  }
0xf1: {  	[hbm4b:s10+s2] =	stream.linear.scatter [tilespmem:s2], [sflag:$0x1], $0x1A00, $0x38;
	[tilespmem:$0x1B00] =	vst v63  }
0xf2: {  	_ =	swait.ge [sflag:s13], $0x1A00  }
0xf3: {  	[sflag:s13] =	ssyncset.done $0x0  }
0xf4: {  	[sflag:s13] =	ssyncadd.s32 $0xFFFFE600  }
0xf5: {  	_ =	sfence.sel $0x180000  }
0xf6: {  	[bflag:$0x0] =	sbarrier.arrive $0xFFFF  }
0xf7: {  	p0 =	sne.s32 s1, $0x0;
	_ =	strace $0x90000047  }
0xf8: {  	s0 =	sadd.s32 @!p0 $0x100000, s0;
	[bflag:$0x2] =	sbarrier.arrive $0xFFFF  }
0xf9: {  	[sflag:s0] =	ssyncadd.tile.s32 @!p0 $0x1;
	_ =	shalt  }
.Lfunc_end2:
_tile_overlayer_lowered:
.L_overlay_start_2:
0xfa: {  	(tag) =	ssettag $0x2  }
0xfb: {  	s0 =	rddreg [dreg:$0x0];
	s2 =	stileid.u32  }
0xfc: {  	s1 =	rddreg [dreg:$0x1];
	p0 =	sne.s32 s2, $0x0  }
0xfd: {  	s3 =	rddreg [dreg:$0x2];
	[bflag:$0x3] =	sbarrier.arrive $0xFFFF;
	s2 =	simm.s32 @!p0 $0x1C01  }
0xfe: {  	[timem:s3], [sflag:s2] =	dma.local @!p0 [hbm:s0], s1  }
0xff: {  	s0 =	simm.s32 @!p0 $0x1  }
0x100: {  	_ =	swait.ge @!p0 [sflag:s0], s1  }
0x101: {  	s1 =	ssub.s32 @!p0 $0x0, s1;
	[sflag:s0] =	ssyncset.done @!p0 $0x0  }
0x102: {  	[sflag:s0] =	ssyncadd.s32 @!p0 s1  }
0x103: {  	[bflag:$0x3] =	sbarrier.arrive $0xFFFF  }
0x104: {  	_ =	shalt  }

</sc_bundles>
